<compile_context>
chip_gen: v7x
topology: tpu7x:2x2x1
jax: 0.10.2.dev20260603
libtpu: 0.0.44.dev20260713+nightly
codegen_flags: <defaults>
</compile_context>

<pallas_src>
import functools

import jax
import jax.numpy as jnp
from jax import lax
from jax.experimental import pallas as pl
from jax.experimental.pallas import tpu as pltpu
from jax.experimental.pallas import tpu_sc as plsc

N_NODES = 10000
N_EDGES = 320000
C = 128

NC, NS = 2, 16
NW = NC * NS
CHUNK = 128
CPW = 80
E_PAD = NW * CPW * CHUNK
N_PAD = 10240
ROWS_PER_SUB = N_PAD // NS
DUMMY = N_NODES
BLK = 512
FBLK = 400
NBUF = 2
HCPW = 40
NPADROWS = N_PAD - N_NODES


def _sc_mesh():
    return plsc.VectorSubcoreMesh(core_axis_name="c", subcore_axis_name="s")


def _sc_degree(dst2d, ones_rows, zeros128):

    @functools.partial(
        pl.kernel,
        mesh=_sc_mesh(),
        out_type=jax.ShapeDtypeStruct((NC * N_PAD, C), jnp.float32),
        scratch_types=[
            pltpu.VMEM((CPW, CHUNK), jnp.int32),
            pltpu.VMEM((CHUNK, C), jnp.float32),
            pltpu.VMEM_SHARED((N_PAD, C), jnp.float32),
        ],
    )
    def deg_kernel(dst_hbm, ones_hbm, zeros_hbm, out_hbm, idx_v, ones_v, acc):
        c = lax.axis_index("c")
        s = lax.axis_index("s")
        wid = s * NC + c
        pltpu.sync_copy(zeros_hbm, acc.at[pl.ds(s * ROWS_PER_SUB, ROWS_PER_SUB)])
        pltpu.sync_copy(ones_hbm, ones_v)
        pltpu.sync_copy(dst_hbm.at[pl.ds(wid * CPW, CPW)], idx_v)
        plsc.subcore_barrier()

        @pl.loop(0, CPW)
        def _(j):
            pltpu.sync_copy(ones_v, acc.at[idx_v.at[j]], add=True)

        plsc.subcore_barrier()
        pltpu.sync_copy(
            acc.at[pl.ds(s * ROWS_PER_SUB, ROWS_PER_SUB)],
            out_hbm.at[pl.ds(c * N_PAD + s * ROWS_PER_SUB, ROWS_PER_SUB)],
        )

    return deg_kernel(dst2d, ones_rows, zeros128)


def _sc_aggregate(y_pad, src2d, dst2d, zeros128):

    @functools.partial(
        pl.kernel,
        mesh=_sc_mesh(),
        out_type=jax.ShapeDtypeStruct((NC * N_PAD, C), jnp.float32),
        scratch_types=[
            pltpu.VMEM((HCPW, CHUNK), jnp.int32),
            pltpu.VMEM((HCPW, CHUNK), jnp.int32),
            pltpu.VMEM((CHUNK, C), jnp.float32),
            pltpu.VMEM((CHUNK, C), jnp.float32),
            pltpu.VMEM_SHARED((N_PAD, C), jnp.float32),
            pltpu.SemaphoreType.DMA,
            pltpu.SemaphoreType.DMA,
        ],
    )
    def agg_kernel(y_hbm, src_hbm, dst_hbm, zeros_hbm, out_hbm,
                   srcv, dstv, rows0, rows1, acc, sem0, sem1):
        c = lax.axis_index("c")
        s = lax.axis_index("s")
        rows = (rows0, rows1)
        sems = (sem0, sem1)
        wid = s * NC + c
        base = wid * CPW
        pltpu.sync_copy(zeros_hbm, acc.at[pl.ds(s * ROWS_PER_SUB, ROWS_PER_SUB)])
        plsc.subcore_barrier()

        for h in range(CPW // HCPW):
            pltpu.sync_copy(src_hbm.at[pl.ds(base + h * HCPW, HCPW)], srcv)
            pltpu.sync_copy(dst_hbm.at[pl.ds(base + h * HCPW, HCPW)], dstv)

            for b in range(NBUF):
                pltpu.async_copy(y_hbm.at[srcv.at[b]], rows[b], sems[b])

            @pl.loop(0, HCPW, step=NBUF)
            def _(j):
                for b in range(NBUF):
                    pltpu.make_async_copy(
                        y_hbm.at[srcv.at[j + b]], rows[b], sems[b]).wait()
                    pltpu.sync_copy(rows[b], acc.at[dstv.at[j + b]],
                                    add=True)

                    @pl.when(j + b + NBUF < HCPW)
                    def _(b=b):
                        pltpu.async_copy(
                            y_hbm.at[srcv.at[j + b + NBUF]],
                            rows[b], sems[b])

        plsc.subcore_barrier()
        pltpu.sync_copy(
            acc.at[pl.ds(s * ROWS_PER_SUB, ROWS_PER_SUB)],
            out_hbm.at[pl.ds(c * N_PAD + s * ROWS_PER_SUB, ROWS_PER_SUB)],
        )

    return agg_kernel(y_pad, src2d, dst2d, zeros128)


def _dinv_from_parts(d_ref):
    cnt = d_ref[0, :, 0:1] + d_ref[1, :, 0:1]
    return lax.rsqrt(cnt + 1.0)


def _tc_matmul1(x_pad, W1):

    def body(x_ref, w_ref, xw_ref):
        xw_ref[...] = jnp.dot(x_ref[...], w_ref[...],
                              preferred_element_type=jnp.float32)

    return pl.pallas_call(
        body,
        grid=(N_PAD // BLK,),
        in_specs=[
            pl.BlockSpec((BLK, C), lambda i: (i, 0)),
            pl.BlockSpec((C, C), lambda i: (0, 0)),
        ],
        out_specs=pl.BlockSpec((BLK, C), lambda i: (i, 0)),
        out_shape=jax.ShapeDtypeStruct((N_PAD, C), jnp.float32),
    )(x_pad, W1)


def _tc_scale1(xw1, degp):

    def body(xw_ref, d_ref, y_ref, dv_ref):
        dinv = _dinv_from_parts(d_ref)
        y_ref[...] = xw_ref[...] * dinv
        dv_ref[...] = dinv

    return pl.pallas_call(
        body,
        grid=(N_PAD // BLK,),
        in_specs=[
            pl.BlockSpec((BLK, C), lambda i: (i, 0)),
            pl.BlockSpec((NC, BLK, C), lambda i: (0, i, 0)),
        ],
        out_specs=[
            pl.BlockSpec((BLK, C), lambda i: (i, 0)),
            pl.BlockSpec((BLK, 1), lambda i: (i, 0)),
        ],
        out_shape=[jax.ShapeDtypeStruct((N_PAD, C), jnp.float32),
                   jax.ShapeDtypeStruct((N_PAD, 1), jnp.float32)],
    )(xw1, degp)


def _tc_layer2(zp, xw1, b1, W2, dinv_col):

    def body(z_ref, xw_ref, b_ref, w_ref, d_ref, y_ref, xw2_ref):
        dinv = d_ref[...]
        z = z_ref[0] + z_ref[1]
        h = dinv * z + (dinv * dinv) * xw_ref[...] + b_ref[...]
        h = jnp.maximum(h, 0.0)
        xw2 = jnp.dot(h, w_ref[...], preferred_element_type=jnp.float32)
        xw2_ref[...] = xw2
        y_ref[...] = xw2 * dinv

    return pl.pallas_call(
        body,
        grid=(N_PAD // BLK,),
        in_specs=[
            pl.BlockSpec((NC, BLK, C), lambda i: (0, i, 0)),
            pl.BlockSpec((BLK, C), lambda i: (i, 0)),
            pl.BlockSpec((1, C), lambda i: (0, 0)),
            pl.BlockSpec((C, C), lambda i: (0, 0)),
            pl.BlockSpec((BLK, 1), lambda i: (i, 0)),
        ],
        out_specs=[
            pl.BlockSpec((BLK, C), lambda i: (i, 0)),
            pl.BlockSpec((BLK, C), lambda i: (i, 0)),
        ],
        out_shape=[jax.ShapeDtypeStruct((N_PAD, C), jnp.float32)] * 2,
    )(zp, xw1, b1, W2, dinv_col)


def _tc_final(zp, xw2, b2, dinv_col):

    def body(z_ref, xw_ref, b_ref, d_ref, o_ref):
        dinv = d_ref[...]
        z = z_ref[0] + z_ref[1]
        o_ref[...] = dinv * z + (dinv * dinv) * xw_ref[...] + b_ref[...]

    return pl.pallas_call(
        body,
        grid=(N_NODES // FBLK,),
        in_specs=[
            pl.BlockSpec((NC, FBLK, C), lambda i: (0, i, 0)),
            pl.BlockSpec((FBLK, C), lambda i: (i, 0)),
            pl.BlockSpec((1, C), lambda i: (0, 0)),
            pl.BlockSpec((FBLK, 1), lambda i: (i, 0)),
        ],
        out_specs=pl.BlockSpec((FBLK, C), lambda i: (i, 0)),
        out_shape=jax.ShapeDtypeStruct((N_NODES, C), jnp.float32),
    )(zp, xw2, b2, dinv_col)


def kernel(x, edge_index, W1, b1, W2, b2):
    ei = edge_index.astype(jnp.int32)
    pad = DUMMY + jnp.arange(E_PAD - N_EDGES, dtype=jnp.int32) % NPADROWS
    src2d = jnp.concatenate([ei[0], pad]).reshape(E_PAD // CHUNK, CHUNK)
    dst2d = jnp.concatenate([ei[1], pad]).reshape(E_PAD // CHUNK, CHUNK)

    x_pad = jnp.zeros((N_PAD, C), jnp.float32).at[:N_NODES].set(x)
    ones_rows = jnp.ones((CHUNK, C), jnp.float32)
    zeros128 = jnp.zeros((ROWS_PER_SUB, C), jnp.float32)
    b1r = b1.reshape(1, C)
    b2r = b2.reshape(1, C)

    degp = _sc_degree(dst2d, ones_rows, zeros128).reshape(NC, N_PAD, C)
    xw1 = _tc_matmul1(x_pad, W1)
    y1, dinv_col = _tc_scale1(xw1, degp)
    z1 = _sc_aggregate(y1, src2d, dst2d, zeros128).reshape(NC, N_PAD, C)
    y2, xw2 = _tc_layer2(z1, xw1, b1r, W2, dinv_col)
    z2 = _sc_aggregate(y2, src2d, dst2d, zeros128).reshape(NC, N_PAD, C)
    return _tc_final(z2, xw2, b2r, dinv_col)

# --- scband reference (transcript-rebuilt; emitter-appended) ---
"""Pipeline reference for scband-gnn-45217415693100 (READ-ONLY COPY).

The authoritative reference and input builder live on the scoring server;
editing this copy changes nothing except your own understanding.
"""

import jax, jax.numpy as jnp
import numpy as np

N_NODES = 10000
N_EDGES = 320000
IN_C = 128
HID_C = 128
OUT_C = 128


def _gcn_conv(x, edge_index, W, b):
    N = x.shape[0]
    x = x @ W
    loop = jnp.arange(N, dtype=edge_index.dtype)
    src = jnp.concatenate([edge_index[0], loop])
    dst = jnp.concatenate([edge_index[1], loop])
    ones = jnp.ones(src.shape[0], dtype=x.dtype)
    deg = jax.ops.segment_sum(ones, dst, num_segments=N)
    dinv = jnp.where(deg > 0, jax.lax.rsqrt(deg), 0.0)
    norm = dinv[src] * dinv[dst]
    msg = x[src] * norm[:, None]
    out = jax.ops.segment_sum(msg, dst, num_segments=N)
    return out + b


def setup_inputs(seed: int = 0) -> dict:
    key = jax.random.key(seed)
    k1, k2, k3, k4, k5, k6 = jax.random.split(key, 6)
    x = jax.random.normal(k1, (N_NODES, IN_C), dtype=jnp.float32)
    edge_index = jax.random.randint(k2, (2, N_EDGES), 0, N_NODES, dtype=jnp.int64)
    s1 = 1.0 / np.sqrt(IN_C)
    s2 = 1.0 / np.sqrt(HID_C)
    W1 = jax.random.uniform(k3, (IN_C, HID_C), jnp.float32, -s1, s1)
    b1 = jnp.zeros((HID_C,), dtype=jnp.float32)
    W2 = jax.random.uniform(k4, (HID_C, OUT_C), jnp.float32, -s2, s2)
    b2 = jnp.zeros((OUT_C,), dtype=jnp.float32)
    return {"x": x, "edge_index": edge_index, "W1": W1, "b1": b1, "W2": W2, "b2": b2}


def reference(x, edge_index, W1, b1, W2, b2):
    # GCN layer 1
    h = _gcn_conv(x, edge_index, W1, b1)
    h = jax.nn.relu(h)
    # dropout is identity in eval mode (training=False)
    out = _gcn_conv(h, edge_index, W2, b2)
    return out

if __name__ == "__main__":
    import jax
    _d = setup_inputs()
    print(jax.jit(kernel)(*tuple(_d.values())))

</pallas_src>

<mosaic_0001>
#map = affine_map<(d0, d1) -> (0, 0)>
module attributes {stable_mosaic.version = 14 : i64} {
  func.func @agg_kernel(%arg0: i32, %arg1: i32, %arg2: memref<10240x128xf32, #tpu.memory_space<hbm>>, %arg3: memref<2560x128xi32, #tpu.memory_space<hbm>>, %arg4: memref<2560x128xi32, #tpu.memory_space<hbm>>, %arg5: memref<640x128xf32, #tpu.memory_space<hbm>>, %arg6: memref<20480x128xf32, #tpu.memory_space<hbm>>, %arg7: memref<40x128xi32, #tpu.memory_space<vmem>>, %arg8: memref<40x128xi32, #tpu.memory_space<vmem>>, %arg9: memref<128x128xf32, #tpu.memory_space<vmem>>, %arg10: memref<128x128xf32, #tpu.memory_space<vmem>>, %arg11: memref<10240x128xf32, #tpu.memory_space<vmem_shared>>, %arg12: memref<!tpu.dma_semaphore, #tpu.memory_space<semaphore_mem>>, %arg13: memref<!tpu.dma_semaphore, #tpu.memory_space<semaphore_mem>>) attributes {dimension_semantics = [#tpu.dimension_semantics<core_parallel>, #tpu.dimension_semantics<subcore_parallel>], iteration_bounds = array<i64: 2, 16>, scalar_prefetch = 0 : i64, scratch_operands = 7 : i64, tpu.core_type = #tpu.core_type<sc_vector_subcore>, window_params = [{transform_indices = #map}, {transform_indices = #map}, {transform_indices = #map}, {transform_indices = #map}, {transform_indices = #map}]} {
    %mul3A = arith.constant 2 : i32
    %mul3A_0 = arith.muli %arg1, %mul3A : i32
    %add3A = arith.addi %mul3A_0, %arg0 : i32
    %mul3A_1 = arith.constant 80 : i32
    %mul3A_2 = arith.muli %add3A, %mul3A_1 : i32
    %mul3A_3 = arith.constant 640 : i32
    %mul3A_4 = arith.muli %arg1, %mul3A_3 : i32
    "tpu.region"() ({
      %run_scoped3A = tpu.sem_alloc : memref<!tpu.dma_semaphore, #tpu.memory_space<semaphore_mem>>
      %dma_start3A_57 = arith.constant 0 : i32
      %dma_start3A_58 = tpu.memref_slice %arg11[%mul3A_4, %dma_start3A_57] : memref<10240x128xf32, #tpu.memory_space<vmem_shared>> -> memref<640x128xf32, #tpu.memory_space<vmem_shared>>
      tpu.enqueue_dma source(%arg5 : memref<640x128xf32, #tpu.memory_space<hbm>>) target(%dma_start3A_58 : memref<640x128xf32, #tpu.memory_space<vmem_shared>>) target_semaphore(%run_scoped3A : memref<!tpu.dma_semaphore, #tpu.memory_space<semaphore_mem>>)
      %dma_wait3A = arith.constant 0 : i32
      %dma_wait3A_59 = tpu.memref_slice %arg11[%mul3A_4, %dma_wait3A] : memref<10240x128xf32, #tpu.memory_space<vmem_shared>> -> memref<640x128xf32, #tpu.memory_space<vmem_shared>>
      tpu.wait_dma2 semaphore(%run_scoped3A : memref<!tpu.dma_semaphore, #tpu.memory_space<semaphore_mem>>) src(%arg5 : memref<640x128xf32, #tpu.memory_space<hbm>>) dst(%dma_wait3A_59 : memref<640x128xf32, #tpu.memory_space<vmem_shared>>)
      tpu.yield
    }) : () -> ()
    %barrier3A = arith.constant 0 : index
    tpu.barrier barrier_id(%barrier3A)
    %add3A_5 = arith.constant 0 : i32
    %add3A_6 = arith.addi %mul3A_2, %add3A_5 : i32
    "tpu.region"() ({
      %run_scoped3A = tpu.sem_alloc : memref<!tpu.dma_semaphore, #tpu.memory_space<semaphore_mem>>
      %dma_start3A_57 = arith.constant 0 : i32
      %dma_start3A_58 = tpu.memref_slice %arg3[%add3A_6, %dma_start3A_57] : memref<2560x128xi32, #tpu.memory_space<hbm>> -> memref<40x128xi32, #tpu.memory_space<hbm>>
      %dma_start3A_59 = arith.constant 0 : i32
      %dma_start3A_60 = tpu.memref_slice %arg3[%add3A_6, %dma_start3A_59] : memref<2560x128xi32, #tpu.memory_space<hbm>> -> memref<40x128xi32, #tpu.memory_space<hbm>>
      tpu.enqueue_dma source(%dma_start3A_60 : memref<40x128xi32, #tpu.memory_space<hbm>>) target(%arg7 : memref<40x128xi32, #tpu.memory_space<vmem>>) target_semaphore(%run_scoped3A : memref<!tpu.dma_semaphore, #tpu.memory_space<semaphore_mem>>)
      %dma_wait3A = arith.constant 0 : i32
      %dma_wait3A_61 = tpu.memref_slice %arg3[%add3A_6, %dma_wait3A] : memref<2560x128xi32, #tpu.memory_space<hbm>> -> memref<40x128xi32, #tpu.memory_space<hbm>>
      %dma_wait3A_62 = arith.constant 0 : i32
      %dma_wait3A_63 = tpu.memref_slice %arg3[%add3A_6, %dma_wait3A_62] : memref<2560x128xi32, #tpu.memory_space<hbm>> -> memref<40x128xi32, #tpu.memory_space<hbm>>
      tpu.wait_dma2 semaphore(%run_scoped3A : memref<!tpu.dma_semaphore, #tpu.memory_space<semaphore_mem>>) src(%dma_wait3A_63 : memref<40x128xi32, #tpu.memory_space<hbm>>) dst(%arg7 : memref<40x128xi32, #tpu.memory_space<vmem>>)
      tpu.yield
    }) : () -> ()
    %add3A_7 = arith.constant 0 : i32
    %add3A_8 = arith.addi %mul3A_2, %add3A_7 : i32
    "tpu.region"() ({
      %run_scoped3A = tpu.sem_alloc : memref<!tpu.dma_semaphore, #tpu.memory_space<semaphore_mem>>
      %dma_start3A_57 = arith.constant 0 : i32
      %dma_start3A_58 = tpu.memref_slice %arg4[%add3A_8, %dma_start3A_57] : memref<2560x128xi32, #tpu.memory_space<hbm>> -> memref<40x128xi32, #tpu.memory_space<hbm>>
      %dma_start3A_59 = arith.constant 0 : i32
      %dma_start3A_60 = tpu.memref_slice %arg4[%add3A_8, %dma_start3A_59] : memref<2560x128xi32, #tpu.memory_space<hbm>> -> memref<40x128xi32, #tpu.memory_space<hbm>>
      tpu.enqueue_dma source(%dma_start3A_60 : memref<40x128xi32, #tpu.memory_space<hbm>>) target(%arg8 : memref<40x128xi32, #tpu.memory_space<vmem>>) target_semaphore(%run_scoped3A : memref<!tpu.dma_semaphore, #tpu.memory_space<semaphore_mem>>)
      %dma_wait3A = arith.constant 0 : i32
      %dma_wait3A_61 = tpu.memref_slice %arg4[%add3A_8, %dma_wait3A] : memref<2560x128xi32, #tpu.memory_space<hbm>> -> memref<40x128xi32, #tpu.memory_space<hbm>>
      %dma_wait3A_62 = arith.constant 0 : i32
      %dma_wait3A_63 = tpu.memref_slice %arg4[%add3A_8, %dma_wait3A_62] : memref<2560x128xi32, #tpu.memory_space<hbm>> -> memref<40x128xi32, #tpu.memory_space<hbm>>
      tpu.wait_dma2 semaphore(%run_scoped3A : memref<!tpu.dma_semaphore, #tpu.memory_space<semaphore_mem>>) src(%dma_wait3A_63 : memref<40x128xi32, #tpu.memory_space<hbm>>) dst(%arg8 : memref<40x128xi32, #tpu.memory_space<vmem>>)
      tpu.yield
    }) : () -> ()
    %dma_start3A = arith.constant 0 : i32
    %dma_start3A_9 = arith.constant 0 : i32
    %dma_start3A_10 = tpu.memref_slice %arg7[%dma_start3A, %dma_start3A_9] : memref<40x128xi32, #tpu.memory_space<vmem>> -> memref<1x128xi32, #tpu.memory_space<vmem>>
    %dma_start3A_11 = tpu.memref_squeeze %dma_start3A_10 : memref<1x128xi32, #tpu.memory_space<vmem>> -> memref<128xi32, #tpu.memory_space<vmem>>
    %dma_start3A_12 = arith.constant 0 : i32
    %dma_start3A_13 = arith.constant 0 : i32
    %dma_start3A_14 = tpu.memref_slice %arg2[%dma_start3A_12, %dma_start3A_13] : memref<10240x128xf32, #tpu.memory_space<hbm>> -> memref<10240x128xf32, #tpu.memory_space<hbm>>
    tpu.enqueue_indirect_dma source(%dma_start3A_14 : memref<10240x128xf32, #tpu.memory_space<hbm>>) target(%arg9 : memref<128x128xf32, #tpu.memory_space<vmem>>) offsets(%dma_start3A_11 : memref<128xi32, #tpu.memory_space<vmem>>) semaphore(%arg12 : memref<!tpu.dma_semaphore, #tpu.memory_space<semaphore_mem>>)
    %dma_start3A_15 = arith.constant 1 : i32
    %dma_start3A_16 = arith.constant 0 : i32
    %dma_start3A_17 = tpu.memref_slice %arg7[%dma_start3A_15, %dma_start3A_16] : memref<40x128xi32, #tpu.memory_space<vmem>> -> memref<1x128xi32, #tpu.memory_space<vmem>>
    %dma_start3A_18 = tpu.memref_squeeze %dma_start3A_17 : memref<1x128xi32, #tpu.memory_space<vmem>> -> memref<128xi32, #tpu.memory_space<vmem>>
    %dma_start3A_19 = arith.constant 0 : i32
    %dma_start3A_20 = arith.constant 0 : i32
    %dma_start3A_21 = tpu.memref_slice %arg2[%dma_start3A_19, %dma_start3A_20] : memref<10240x128xf32, #tpu.memory_space<hbm>> -> memref<10240x128xf32, #tpu.memory_space<hbm>>
    tpu.enqueue_indirect_dma source(%dma_start3A_21 : memref<10240x128xf32, #tpu.memory_space<hbm>>) target(%arg10 : memref<128x128xf32, #tpu.memory_space<vmem>>) offsets(%dma_start3A_18 : memref<128xi32, #tpu.memory_space<vmem>>) semaphore(%arg13 : memref<!tpu.dma_semaphore, #tpu.memory_space<semaphore_mem>>)
    %scan3A = arith.constant 0 : i32
    %scan3A_22 = arith.constant 20 : i32
    %scan3A_23 = arith.addi %scan3A, %scan3A_22 : i32
    %scan3A_24 = arith.constant 1 : i32
    scf.for %scan3A_57 = %scan3A to %scan3A_23 step %scan3A_24  : i32 {
      %mul3A_58 = arith.constant 2 : i32
      %mul3A_59 = arith.muli %scan3A_57, %mul3A_58 : i32
      %add3A_60 = arith.constant 0 : i32
      %add3A_61 = arith.addi %add3A_60, %mul3A_59 : i32
      %add3A_62 = arith.constant 0 : i32
      %add3A_63 = arith.addi %add3A_61, %add3A_62 : i32
      %dma_wait3A = arith.constant 0 : i32
      %dma_wait3A_64 = tpu.memref_slice %arg7[%add3A_63, %dma_wait3A] : memref<40x128xi32, #tpu.memory_space<vmem>> -> memref<1x128xi32, #tpu.memory_space<vmem>>
      %dma_wait3A_65 = tpu.memref_squeeze %dma_wait3A_64 : memref<1x128xi32, #tpu.memory_space<vmem>> -> memref<128xi32, #tpu.memory_space<vmem>>
      %dma_wait3A_66 = arith.constant 0 : i32
      %dma_wait3A_67 = arith.constant 0 : i32
      %dma_wait3A_68 = tpu.memref_slice %arg2[%dma_wait3A_66, %dma_wait3A_67] : memref<10240x128xf32, #tpu.memory_space<hbm>> -> memref<10240x128xf32, #tpu.memory_space<hbm>>
      tpu.wait_indirect_dma semaphore(%arg12 : memref<!tpu.dma_semaphore, #tpu.memory_space<semaphore_mem>>) src(%dma_wait3A_68 : memref<10240x128xf32, #tpu.memory_space<hbm>>) dst(%arg9 : memref<128x128xf32, #tpu.memory_space<vmem>>)
      %add3A_69 = arith.constant 0 : i32
      %add3A_70 = arith.addi %add3A_61, %add3A_69 : i32
      "tpu.region"() ({
        %run_scoped3A = tpu.sem_alloc : memref<!tpu.dma_semaphore, #tpu.memory_space<semaphore_mem>>
        %dma_start3A_96 = arith.constant 0 : i32
        %dma_start3A_97 = tpu.memref_slice %arg8[%add3A_70, %dma_start3A_96] : memref<40x128xi32, #tpu.memory_space<vmem>> -> memref<1x128xi32, #tpu.memory_space<vmem>>
        %dma_start3A_98 = tpu.memref_squeeze %dma_start3A_97 : memref<1x128xi32, #tpu.memory_space<vmem>> -> memref<128xi32, #tpu.memory_space<vmem>>
        %dma_start3A_99 = arith.constant 0 : i32
        %dma_start3A_100 = arith.constant 0 : i32
        %dma_start3A_101 = tpu.memref_slice %arg11[%dma_start3A_99, %dma_start3A_100] : memref<10240x128xf32, #tpu.memory_space<vmem_shared>> -> memref<10240x128xf32, #tpu.memory_space<vmem_shared>>
        tpu.enqueue_indirect_dma source(%arg9 : memref<128x128xf32, #tpu.memory_space<vmem>>) target(%dma_start3A_101 : memref<10240x128xf32, #tpu.memory_space<vmem_shared>>) offsets(%dma_start3A_98 : memref<128xi32, #tpu.memory_space<vmem>>) semaphore(%run_scoped3A : memref<!tpu.dma_semaphore, #tpu.memory_space<semaphore_mem>>) {add = true}
        %dma_wait3A_102 = arith.constant 0 : i32
        %dma_wait3A_103 = tpu.memref_slice %arg8[%add3A_70, %dma_wait3A_102] : memref<40x128xi32, #tpu.memory_space<vmem>> -> memref<1x128xi32, #tpu.memory_space<vmem>>
        %dma_wait3A_104 = tpu.memref_squeeze %dma_wait3A_103 : memref<1x128xi32, #tpu.memory_space<vmem>> -> memref<128xi32, #tpu.memory_space<vmem>>
        %dma_wait3A_105 = arith.constant 0 : i32
        %dma_wait3A_106 = arith.constant 0 : i32
        %dma_wait3A_107 = tpu.memref_slice %arg11[%dma_wait3A_105, %dma_wait3A_106] : memref<10240x128xf32, #tpu.memory_space<vmem_shared>> -> memref<10240x128xf32, #tpu.memory_space<vmem_shared>>
        tpu.wait_indirect_dma semaphore(%run_scoped3A : memref<!tpu.dma_semaphore, #tpu.memory_space<semaphore_mem>>) src(%arg9 : memref<128x128xf32, #tpu.memory_space<vmem>>) dst(%dma_wait3A_107 : memref<10240x128xf32, #tpu.memory_space<vmem_shared>>)
        tpu.yield
      }) : () -> ()
      %add3A_71 = arith.constant 0 : i32
      %add3A_72 = arith.addi %add3A_61, %add3A_71 : i32
      %add3A_73 = arith.constant 2 : i32
      %add3A_74 = arith.addi %add3A_72, %add3A_73 : i32
      %lt3A = arith.constant 40 : i32
      %lt3A_75 = arith.cmpi slt, %add3A_74, %lt3A : i32
      %convert_element_type3A = arith.extui %lt3A_75 : i1 to i32
      %cond3A = arith.constant 0 : i32
      %cond3A_76 = arith.cmpi ne, %convert_element_type3A, %cond3A : i32
      scf.if %cond3A_76 {
        %add3A_96 = arith.constant 0 : i32
        %add3A_97 = arith.addi %add3A_61, %add3A_96 : i32
        %add3A_98 = arith.constant 2 : i32
        %add3A_99 = arith.addi %add3A_97, %add3A_98 : i32
        %dma_start3A_100 = arith.constant 0 : i32
        %dma_start3A_101 = tpu.memref_slice %arg7[%add3A_99, %dma_start3A_100] : memref<40x128xi32, #tpu.memory_space<vmem>> -> memref<1x128xi32, #tpu.memory_space<vmem>>
        %dma_start3A_102 = tpu.memref_squeeze %dma_start3A_101 : memref<1x128xi32, #tpu.memory_space<vmem>> -> memref<128xi32, #tpu.memory_space<vmem>>
        %dma_start3A_103 = arith.constant 0 : i32
        %dma_start3A_104 = arith.constant 0 : i32
        %dma_start3A_105 = tpu.memref_slice %arg2[%dma_start3A_103, %dma_start3A_104] : memref<10240x128xf32, #tpu.memory_space<hbm>> -> memref<10240x128xf32, #tpu.memory_space<hbm>>
        tpu.enqueue_indirect_dma source(%dma_start3A_105 : memref<10240x128xf32, #tpu.memory_space<hbm>>) target(%arg9 : memref<128x128xf32, #tpu.memory_space<vmem>>) offsets(%dma_start3A_102 : memref<128xi32, #tpu.memory_space<vmem>>) semaphore(%arg12 : memref<!tpu.dma_semaphore, #tpu.memory_space<semaphore_mem>>)
      } else {
      }
      %add3A_77 = arith.constant 1 : i32
      %add3A_78 = arith.addi %add3A_61, %add3A_77 : i32
      %dma_wait3A_79 = arith.constant 0 : i32
      %dma_wait3A_80 = tpu.memref_slice %arg7[%add3A_78, %dma_wait3A_79] : memref<40x128xi32, #tpu.memory_space<vmem>> -> memref<1x128xi32, #tpu.memory_space<vmem>>
      %dma_wait3A_81 = tpu.memref_squeeze %dma_wait3A_80 : memref<1x128xi32, #tpu.memory_space<vmem>> -> memref<128xi32, #tpu.memory_space<vmem>>
      %dma_wait3A_82 = arith.constant 0 : i32
      %dma_wait3A_83 = arith.constant 0 : i32
      %dma_wait3A_84 = tpu.memref_slice %arg2[%dma_wait3A_82, %dma_wait3A_83] : memref<10240x128xf32, #tpu.memory_space<hbm>> -> memref<10240x128xf32, #tpu.memory_space<hbm>>
      tpu.wait_indirect_dma semaphore(%arg13 : memref<!tpu.dma_semaphore, #tpu.memory_space<semaphore_mem>>) src(%dma_wait3A_84 : memref<10240x128xf32, #tpu.memory_space<hbm>>) dst(%arg10 : memref<128x128xf32, #tpu.memory_space<vmem>>)
      %add3A_85 = arith.constant 1 : i32
      %add3A_86 = arith.addi %add3A_61, %add3A_85 : i32
      "tpu.region"() ({
        %run_scoped3A = tpu.sem_alloc : memref<!tpu.dma_semaphore, #tpu.memory_space<semaphore_mem>>
        %dma_start3A_96 = arith.constant 0 : i32
        %dma_start3A_97 = tpu.memref_slice %arg8[%add3A_86, %dma_start3A_96] : memref<40x128xi32, #tpu.memory_space<vmem>> -> memref<1x128xi32, #tpu.memory_space<vmem>>
        %dma_start3A_98 = tpu.memref_squeeze %dma_start3A_97 : memref<1x128xi32, #tpu.memory_space<vmem>> -> memref<128xi32, #tpu.memory_space<vmem>>
        %dma_start3A_99 = arith.constant 0 : i32
        %dma_start3A_100 = arith.constant 0 : i32
        %dma_start3A_101 = tpu.memref_slice %arg11[%dma_start3A_99, %dma_start3A_100] : memref<10240x128xf32, #tpu.memory_space<vmem_shared>> -> memref<10240x128xf32, #tpu.memory_space<vmem_shared>>
        tpu.enqueue_indirect_dma source(%arg10 : memref<128x128xf32, #tpu.memory_space<vmem>>) target(%dma_start3A_101 : memref<10240x128xf32, #tpu.memory_space<vmem_shared>>) offsets(%dma_start3A_98 : memref<128xi32, #tpu.memory_space<vmem>>) semaphore(%run_scoped3A : memref<!tpu.dma_semaphore, #tpu.memory_space<semaphore_mem>>) {add = true}
        %dma_wait3A_102 = arith.constant 0 : i32
        %dma_wait3A_103 = tpu.memref_slice %arg8[%add3A_86, %dma_wait3A_102] : memref<40x128xi32, #tpu.memory_space<vmem>> -> memref<1x128xi32, #tpu.memory_space<vmem>>
        %dma_wait3A_104 = tpu.memref_squeeze %dma_wait3A_103 : memref<1x128xi32, #tpu.memory_space<vmem>> -> memref<128xi32, #tpu.memory_space<vmem>>
        %dma_wait3A_105 = arith.constant 0 : i32
        %dma_wait3A_106 = arith.constant 0 : i32
        %dma_wait3A_107 = tpu.memref_slice %arg11[%dma_wait3A_105, %dma_wait3A_106] : memref<10240x128xf32, #tpu.memory_space<vmem_shared>> -> memref<10240x128xf32, #tpu.memory_space<vmem_shared>>
        tpu.wait_indirect_dma semaphore(%run_scoped3A : memref<!tpu.dma_semaphore, #tpu.memory_space<semaphore_mem>>) src(%arg10 : memref<128x128xf32, #tpu.memory_space<vmem>>) dst(%dma_wait3A_107 : memref<10240x128xf32, #tpu.memory_space<vmem_shared>>)
        tpu.yield
      }) : () -> ()
      %add3A_87 = arith.constant 1 : i32
      %add3A_88 = arith.addi %add3A_61, %add3A_87 : i32
      %add3A_89 = arith.constant 2 : i32
      %add3A_90 = arith.addi %add3A_88, %add3A_89 : i32
      %lt3A_91 = arith.constant 40 : i32
      %lt3A_92 = arith.cmpi slt, %add3A_90, %lt3A_91 : i32
      %convert_element_type3A_93 = arith.extui %lt3A_92 : i1 to i32
      %cond3A_94 = arith.constant 0 : i32
      %cond3A_95 = arith.cmpi ne, %convert_element_type3A_93, %cond3A_94 : i32
      scf.if %cond3A_95 {
        %add3A_96 = arith.constant 1 : i32
        %add3A_97 = arith.addi %add3A_61, %add3A_96 : i32
        %add3A_98 = arith.constant 2 : i32
        %add3A_99 = arith.addi %add3A_97, %add3A_98 : i32
        %dma_start3A_100 = arith.constant 0 : i32
        %dma_start3A_101 = tpu.memref_slice %arg7[%add3A_99, %dma_start3A_100] : memref<40x128xi32, #tpu.memory_space<vmem>> -> memref<1x128xi32, #tpu.memory_space<vmem>>
        %dma_start3A_102 = tpu.memref_squeeze %dma_start3A_101 : memref<1x128xi32, #tpu.memory_space<vmem>> -> memref<128xi32, #tpu.memory_space<vmem>>
        %dma_start3A_103 = arith.constant 0 : i32
        %dma_start3A_104 = arith.constant 0 : i32
        %dma_start3A_105 = tpu.memref_slice %arg2[%dma_start3A_103, %dma_start3A_104] : memref<10240x128xf32, #tpu.memory_space<hbm>> -> memref<10240x128xf32, #tpu.memory_space<hbm>>
        tpu.enqueue_indirect_dma source(%dma_start3A_105 : memref<10240x128xf32, #tpu.memory_space<hbm>>) target(%arg10 : memref<128x128xf32, #tpu.memory_space<vmem>>) offsets(%dma_start3A_102 : memref<128xi32, #tpu.memory_space<vmem>>) semaphore(%arg13 : memref<!tpu.dma_semaphore, #tpu.memory_space<semaphore_mem>>)
      } else {
      }
    }
    %scan3A_25 = arith.constant 20 : i32
    %add3A_26 = arith.constant 40 : i32
    %add3A_27 = arith.addi %mul3A_2, %add3A_26 : i32
    "tpu.region"() ({
      %run_scoped3A = tpu.sem_alloc : memref<!tpu.dma_semaphore, #tpu.memory_space<semaphore_mem>>
      %dma_start3A_57 = arith.constant 0 : i32
      %dma_start3A_58 = tpu.memref_slice %arg3[%add3A_27, %dma_start3A_57] : memref<2560x128xi32, #tpu.memory_space<hbm>> -> memref<40x128xi32, #tpu.memory_space<hbm>>
      %dma_start3A_59 = arith.constant 0 : i32
      %dma_start3A_60 = tpu.memref_slice %arg3[%add3A_27, %dma_start3A_59] : memref<2560x128xi32, #tpu.memory_space<hbm>> -> memref<40x128xi32, #tpu.memory_space<hbm>>
      tpu.enqueue_dma source(%dma_start3A_60 : memref<40x128xi32, #tpu.memory_space<hbm>>) target(%arg7 : memref<40x128xi32, #tpu.memory_space<vmem>>) target_semaphore(%run_scoped3A : memref<!tpu.dma_semaphore, #tpu.memory_space<semaphore_mem>>)
      %dma_wait3A = arith.constant 0 : i32
      %dma_wait3A_61 = tpu.memref_slice %arg3[%add3A_27, %dma_wait3A] : memref<2560x128xi32, #tpu.memory_space<hbm>> -> memref<40x128xi32, #tpu.memory_space<hbm>>
      %dma_wait3A_62 = arith.constant 0 : i32
      %dma_wait3A_63 = tpu.memref_slice %arg3[%add3A_27, %dma_wait3A_62] : memref<2560x128xi32, #tpu.memory_space<hbm>> -> memref<40x128xi32, #tpu.memory_space<hbm>>
      tpu.wait_dma2 semaphore(%run_scoped3A : memref<!tpu.dma_semaphore, #tpu.memory_space<semaphore_mem>>) src(%dma_wait3A_63 : memref<40x128xi32, #tpu.memory_space<hbm>>) dst(%arg7 : memref<40x128xi32, #tpu.memory_space<vmem>>)
      tpu.yield
    }) : () -> ()
    %add3A_28 = arith.constant 40 : i32
    %add3A_29 = arith.addi %mul3A_2, %add3A_28 : i32
    "tpu.region"() ({
      %run_scoped3A = tpu.sem_alloc : memref<!tpu.dma_semaphore, #tpu.memory_space<semaphore_mem>>
      %dma_start3A_57 = arith.constant 0 : i32
      %dma_start3A_58 = tpu.memref_slice %arg4[%add3A_29, %dma_start3A_57] : memref<2560x128xi32, #tpu.memory_space<hbm>> -> memref<40x128xi32, #tpu.memory_space<hbm>>
      %dma_start3A_59 = arith.constant 0 : i32
      %dma_start3A_60 = tpu.memref_slice %arg4[%add3A_29, %dma_start3A_59] : memref<2560x128xi32, #tpu.memory_space<hbm>> -> memref<40x128xi32, #tpu.memory_space<hbm>>
      tpu.enqueue_dma source(%dma_start3A_60 : memref<40x128xi32, #tpu.memory_space<hbm>>) target(%arg8 : memref<40x128xi32, #tpu.memory_space<vmem>>) target_semaphore(%run_scoped3A : memref<!tpu.dma_semaphore, #tpu.memory_space<semaphore_mem>>)
      %dma_wait3A = arith.constant 0 : i32
      %dma_wait3A_61 = tpu.memref_slice %arg4[%add3A_29, %dma_wait3A] : memref<2560x128xi32, #tpu.memory_space<hbm>> -> memref<40x128xi32, #tpu.memory_space<hbm>>
      %dma_wait3A_62 = arith.constant 0 : i32
      %dma_wait3A_63 = tpu.memref_slice %arg4[%add3A_29, %dma_wait3A_62] : memref<2560x128xi32, #tpu.memory_space<hbm>> -> memref<40x128xi32, #tpu.memory_space<hbm>>
      tpu.wait_dma2 semaphore(%run_scoped3A : memref<!tpu.dma_semaphore, #tpu.memory_space<semaphore_mem>>) src(%dma_wait3A_63 : memref<40x128xi32, #tpu.memory_space<hbm>>) dst(%arg8 : memref<40x128xi32, #tpu.memory_space<vmem>>)
      tpu.yield
    }) : () -> ()
    %dma_start3A_30 = arith.constant 0 : i32
    %dma_start3A_31 = arith.constant 0 : i32
    %dma_start3A_32 = tpu.memref_slice %arg7[%dma_start3A_30, %dma_start3A_31] : memref<40x128xi32, #tpu.memory_space<vmem>> -> memref<1x128xi32, #tpu.memory_space<vmem>>
    %dma_start3A_33 = tpu.memref_squeeze %dma_start3A_32 : memref<1x128xi32, #tpu.memory_space<vmem>> -> memref<128xi32, #tpu.memory_space<vmem>>
    %dma_start3A_34 = arith.constant 0 : i32
    %dma_start3A_35 = arith.constant 0 : i32
    %dma_start3A_36 = tpu.memref_slice %arg2[%dma_start3A_34, %dma_start3A_35] : memref<10240x128xf32, #tpu.memory_space<hbm>> -> memref<10240x128xf32, #tpu.memory_space<hbm>>
    tpu.enqueue_indirect_dma source(%dma_start3A_36 : memref<10240x128xf32, #tpu.memory_space<hbm>>) target(%arg9 : memref<128x128xf32, #tpu.memory_space<vmem>>) offsets(%dma_start3A_33 : memref<128xi32, #tpu.memory_space<vmem>>) semaphore(%arg12 : memref<!tpu.dma_semaphore, #tpu.memory_space<semaphore_mem>>)
    %dma_start3A_37 = arith.constant 1 : i32
    %dma_start3A_38 = arith.constant 0 : i32
    %dma_start3A_39 = tpu.memref_slice %arg7[%dma_start3A_37, %dma_start3A_38] : memref<40x128xi32, #tpu.memory_space<vmem>> -> memref<1x128xi32, #tpu.memory_space<vmem>>
    %dma_start3A_40 = tpu.memref_squeeze %dma_start3A_39 : memref<1x128xi32, #tpu.memory_space<vmem>> -> memref<128xi32, #tpu.memory_space<vmem>>
    %dma_start3A_41 = arith.constant 0 : i32
    %dma_start3A_42 = arith.constant 0 : i32
    %dma_start3A_43 = tpu.memref_slice %arg2[%dma_start3A_41, %dma_start3A_42] : memref<10240x128xf32, #tpu.memory_space<hbm>> -> memref<10240x128xf32, #tpu.memory_space<hbm>>
    tpu.enqueue_indirect_dma source(%dma_start3A_43 : memref<10240x128xf32, #tpu.memory_space<hbm>>) target(%arg10 : memref<128x128xf32, #tpu.memory_space<vmem>>) offsets(%dma_start3A_40 : memref<128xi32, #tpu.memory_space<vmem>>) semaphore(%arg13 : memref<!tpu.dma_semaphore, #tpu.memory_space<semaphore_mem>>)
    %scan3A_44 = arith.constant 0 : i32
    %scan3A_45 = arith.constant 20 : i32
    %scan3A_46 = arith.addi %scan3A_44, %scan3A_45 : i32
    %scan3A_47 = arith.constant 1 : i32
    scf.for %scan3A_57 = %scan3A_44 to %scan3A_46 step %scan3A_47  : i32 {
      %mul3A_58 = arith.constant 2 : i32
      %mul3A_59 = arith.muli %scan3A_57, %mul3A_58 : i32
      %add3A_60 = arith.constant 0 : i32
      %add3A_61 = arith.addi %add3A_60, %mul3A_59 : i32
      %add3A_62 = arith.constant 0 : i32
      %add3A_63 = arith.addi %add3A_61, %add3A_62 : i32
      %dma_wait3A = arith.constant 0 : i32
      %dma_wait3A_64 = tpu.memref_slice %arg7[%add3A_63, %dma_wait3A] : memref<40x128xi32, #tpu.memory_space<vmem>> -> memref<1x128xi32, #tpu.memory_space<vmem>>
      %dma_wait3A_65 = tpu.memref_squeeze %dma_wait3A_64 : memref<1x128xi32, #tpu.memory_space<vmem>> -> memref<128xi32, #tpu.memory_space<vmem>>
      %dma_wait3A_66 = arith.constant 0 : i32
      %dma_wait3A_67 = arith.constant 0 : i32
      %dma_wait3A_68 = tpu.memref_slice %arg2[%dma_wait3A_66, %dma_wait3A_67] : memref<10240x128xf32, #tpu.memory_space<hbm>> -> memref<10240x128xf32, #tpu.memory_space<hbm>>
      tpu.wait_indirect_dma semaphore(%arg12 : memref<!tpu.dma_semaphore, #tpu.memory_space<semaphore_mem>>) src(%dma_wait3A_68 : memref<10240x128xf32, #tpu.memory_space<hbm>>) dst(%arg9 : memref<128x128xf32, #tpu.memory_space<vmem>>)
      %add3A_69 = arith.constant 0 : i32
      %add3A_70 = arith.addi %add3A_61, %add3A_69 : i32
      "tpu.region"() ({
        %run_scoped3A = tpu.sem_alloc : memref<!tpu.dma_semaphore, #tpu.memory_space<semaphore_mem>>
        %dma_start3A_96 = arith.constant 0 : i32
        %dma_start3A_97 = tpu.memref_slice %arg8[%add3A_70, %dma_start3A_96] : memref<40x128xi32, #tpu.memory_space<vmem>> -> memref<1x128xi32, #tpu.memory_space<vmem>>
        %dma_start3A_98 = tpu.memref_squeeze %dma_start3A_97 : memref<1x128xi32, #tpu.memory_space<vmem>> -> memref<128xi32, #tpu.memory_space<vmem>>
        %dma_start3A_99 = arith.constant 0 : i32
        %dma_start3A_100 = arith.constant 0 : i32
        %dma_start3A_101 = tpu.memref_slice %arg11[%dma_start3A_99, %dma_start3A_100] : memref<10240x128xf32, #tpu.memory_space<vmem_shared>> -> memref<10240x128xf32, #tpu.memory_space<vmem_shared>>
        tpu.enqueue_indirect_dma source(%arg9 : memref<128x128xf32, #tpu.memory_space<vmem>>) target(%dma_start3A_101 : memref<10240x128xf32, #tpu.memory_space<vmem_shared>>) offsets(%dma_start3A_98 : memref<128xi32, #tpu.memory_space<vmem>>) semaphore(%run_scoped3A : memref<!tpu.dma_semaphore, #tpu.memory_space<semaphore_mem>>) {add = true}
        %dma_wait3A_102 = arith.constant 0 : i32
        %dma_wait3A_103 = tpu.memref_slice %arg8[%add3A_70, %dma_wait3A_102] : memref<40x128xi32, #tpu.memory_space<vmem>> -> memref<1x128xi32, #tpu.memory_space<vmem>>
        %dma_wait3A_104 = tpu.memref_squeeze %dma_wait3A_103 : memref<1x128xi32, #tpu.memory_space<vmem>> -> memref<128xi32, #tpu.memory_space<vmem>>
        %dma_wait3A_105 = arith.constant 0 : i32
        %dma_wait3A_106 = arith.constant 0 : i32
        %dma_wait3A_107 = tpu.memref_slice %arg11[%dma_wait3A_105, %dma_wait3A_106] : memref<10240x128xf32, #tpu.memory_space<vmem_shared>> -> memref<10240x128xf32, #tpu.memory_space<vmem_shared>>
        tpu.wait_indirect_dma semaphore(%run_scoped3A : memref<!tpu.dma_semaphore, #tpu.memory_space<semaphore_mem>>) src(%arg9 : memref<128x128xf32, #tpu.memory_space<vmem>>) dst(%dma_wait3A_107 : memref<10240x128xf32, #tpu.memory_space<vmem_shared>>)
        tpu.yield
      }) : () -> ()
      %add3A_71 = arith.constant 0 : i32
      %add3A_72 = arith.addi %add3A_61, %add3A_71 : i32
      %add3A_73 = arith.constant 2 : i32
      %add3A_74 = arith.addi %add3A_72, %add3A_73 : i32
      %lt3A = arith.constant 40 : i32
      %lt3A_75 = arith.cmpi slt, %add3A_74, %lt3A : i32
      %convert_element_type3A = arith.extui %lt3A_75 : i1 to i32
      %cond3A = arith.constant 0 : i32
      %cond3A_76 = arith.cmpi ne, %convert_element_type3A, %cond3A : i32
      scf.if %cond3A_76 {
        %add3A_96 = arith.constant 0 : i32
        %add3A_97 = arith.addi %add3A_61, %add3A_96 : i32
        %add3A_98 = arith.constant 2 : i32
        %add3A_99 = arith.addi %add3A_97, %add3A_98 : i32
        %dma_start3A_100 = arith.constant 0 : i32
        %dma_start3A_101 = tpu.memref_slice %arg7[%add3A_99, %dma_start3A_100] : memref<40x128xi32, #tpu.memory_space<vmem>> -> memref<1x128xi32, #tpu.memory_space<vmem>>
        %dma_start3A_102 = tpu.memref_squeeze %dma_start3A_101 : memref<1x128xi32, #tpu.memory_space<vmem>> -> memref<128xi32, #tpu.memory_space<vmem>>
        %dma_start3A_103 = arith.constant 0 : i32
        %dma_start3A_104 = arith.constant 0 : i32
        %dma_start3A_105 = tpu.memref_slice %arg2[%dma_start3A_103, %dma_start3A_104] : memref<10240x128xf32, #tpu.memory_space<hbm>> -> memref<10240x128xf32, #tpu.memory_space<hbm>>
        tpu.enqueue_indirect_dma source(%dma_start3A_105 : memref<10240x128xf32, #tpu.memory_space<hbm>>) target(%arg9 : memref<128x128xf32, #tpu.memory_space<vmem>>) offsets(%dma_start3A_102 : memref<128xi32, #tpu.memory_space<vmem>>) semaphore(%arg12 : memref<!tpu.dma_semaphore, #tpu.memory_space<semaphore_mem>>)
      } else {
      }
      %add3A_77 = arith.constant 1 : i32
      %add3A_78 = arith.addi %add3A_61, %add3A_77 : i32
      %dma_wait3A_79 = arith.constant 0 : i32
      %dma_wait3A_80 = tpu.memref_slice %arg7[%add3A_78, %dma_wait3A_79] : memref<40x128xi32, #tpu.memory_space<vmem>> -> memref<1x128xi32, #tpu.memory_space<vmem>>
      %dma_wait3A_81 = tpu.memref_squeeze %dma_wait3A_80 : memref<1x128xi32, #tpu.memory_space<vmem>> -> memref<128xi32, #tpu.memory_space<vmem>>
      %dma_wait3A_82 = arith.constant 0 : i32
      %dma_wait3A_83 = arith.constant 0 : i32
      %dma_wait3A_84 = tpu.memref_slice %arg2[%dma_wait3A_82, %dma_wait3A_83] : memref<10240x128xf32, #tpu.memory_space<hbm>> -> memref<10240x128xf32, #tpu.memory_space<hbm>>
      tpu.wait_indirect_dma semaphore(%arg13 : memref<!tpu.dma_semaphore, #tpu.memory_space<semaphore_mem>>) src(%dma_wait3A_84 : memref<10240x128xf32, #tpu.memory_space<hbm>>) dst(%arg10 : memref<128x128xf32, #tpu.memory_space<vmem>>)
      %add3A_85 = arith.constant 1 : i32
      %add3A_86 = arith.addi %add3A_61, %add3A_85 : i32
      "tpu.region"() ({
        %run_scoped3A = tpu.sem_alloc : memref<!tpu.dma_semaphore, #tpu.memory_space<semaphore_mem>>
        %dma_start3A_96 = arith.constant 0 : i32
        %dma_start3A_97 = tpu.memref_slice %arg8[%add3A_86, %dma_start3A_96] : memref<40x128xi32, #tpu.memory_space<vmem>> -> memref<1x128xi32, #tpu.memory_space<vmem>>
        %dma_start3A_98 = tpu.memref_squeeze %dma_start3A_97 : memref<1x128xi32, #tpu.memory_space<vmem>> -> memref<128xi32, #tpu.memory_space<vmem>>
        %dma_start3A_99 = arith.constant 0 : i32
        %dma_start3A_100 = arith.constant 0 : i32
        %dma_start3A_101 = tpu.memref_slice %arg11[%dma_start3A_99, %dma_start3A_100] : memref<10240x128xf32, #tpu.memory_space<vmem_shared>> -> memref<10240x128xf32, #tpu.memory_space<vmem_shared>>
        tpu.enqueue_indirect_dma source(%arg10 : memref<128x128xf32, #tpu.memory_space<vmem>>) target(%dma_start3A_101 : memref<10240x128xf32, #tpu.memory_space<vmem_shared>>) offsets(%dma_start3A_98 : memref<128xi32, #tpu.memory_space<vmem>>) semaphore(%run_scoped3A : memref<!tpu.dma_semaphore, #tpu.memory_space<semaphore_mem>>) {add = true}
        %dma_wait3A_102 = arith.constant 0 : i32
        %dma_wait3A_103 = tpu.memref_slice %arg8[%add3A_86, %dma_wait3A_102] : memref<40x128xi32, #tpu.memory_space<vmem>> -> memref<1x128xi32, #tpu.memory_space<vmem>>
        %dma_wait3A_104 = tpu.memref_squeeze %dma_wait3A_103 : memref<1x128xi32, #tpu.memory_space<vmem>> -> memref<128xi32, #tpu.memory_space<vmem>>
        %dma_wait3A_105 = arith.constant 0 : i32
        %dma_wait3A_106 = arith.constant 0 : i32
        %dma_wait3A_107 = tpu.memref_slice %arg11[%dma_wait3A_105, %dma_wait3A_106] : memref<10240x128xf32, #tpu.memory_space<vmem_shared>> -> memref<10240x128xf32, #tpu.memory_space<vmem_shared>>
        tpu.wait_indirect_dma semaphore(%run_scoped3A : memref<!tpu.dma_semaphore, #tpu.memory_space<semaphore_mem>>) src(%arg10 : memref<128x128xf32, #tpu.memory_space<vmem>>) dst(%dma_wait3A_107 : memref<10240x128xf32, #tpu.memory_space<vmem_shared>>)
        tpu.yield
      }) : () -> ()
      %add3A_87 = arith.constant 1 : i32
      %add3A_88 = arith.addi %add3A_61, %add3A_87 : i32
      %add3A_89 = arith.constant 2 : i32
      %add3A_90 = arith.addi %add3A_88, %add3A_89 : i32
      %lt3A_91 = arith.constant 40 : i32
      %lt3A_92 = arith.cmpi slt, %add3A_90, %lt3A_91 : i32
      %convert_element_type3A_93 = arith.extui %lt3A_92 : i1 to i32
      %cond3A_94 = arith.constant 0 : i32
      %cond3A_95 = arith.cmpi ne, %convert_element_type3A_93, %cond3A_94 : i32
      scf.if %cond3A_95 {
        %add3A_96 = arith.constant 1 : i32
        %add3A_97 = arith.addi %add3A_61, %add3A_96 : i32
        %add3A_98 = arith.constant 2 : i32
        %add3A_99 = arith.addi %add3A_97, %add3A_98 : i32
        %dma_start3A_100 = arith.constant 0 : i32
        %dma_start3A_101 = tpu.memref_slice %arg7[%add3A_99, %dma_start3A_100] : memref<40x128xi32, #tpu.memory_space<vmem>> -> memref<1x128xi32, #tpu.memory_space<vmem>>
        %dma_start3A_102 = tpu.memref_squeeze %dma_start3A_101 : memref<1x128xi32, #tpu.memory_space<vmem>> -> memref<128xi32, #tpu.memory_space<vmem>>
        %dma_start3A_103 = arith.constant 0 : i32
        %dma_start3A_104 = arith.constant 0 : i32
        %dma_start3A_105 = tpu.memref_slice %arg2[%dma_start3A_103, %dma_start3A_104] : memref<10240x128xf32, #tpu.memory_space<hbm>> -> memref<10240x128xf32, #tpu.memory_space<hbm>>
        tpu.enqueue_indirect_dma source(%dma_start3A_105 : memref<10240x128xf32, #tpu.memory_space<hbm>>) target(%arg10 : memref<128x128xf32, #tpu.memory_space<vmem>>) offsets(%dma_start3A_102 : memref<128xi32, #tpu.memory_space<vmem>>) semaphore(%arg13 : memref<!tpu.dma_semaphore, #tpu.memory_space<semaphore_mem>>)
      } else {
      }
    }
    %scan3A_48 = arith.constant 20 : i32
    %barrier3A_49 = arith.constant 0 : index
    tpu.barrier barrier_id(%barrier3A_49)
    %mul3A_50 = arith.constant 640 : i32
    %mul3A_51 = arith.muli %arg1, %mul3A_50 : i32
    %mul3A_52 = arith.constant 10240 : i32
    %mul3A_53 = arith.muli %arg0, %mul3A_52 : i32
    %mul3A_54 = arith.constant 640 : i32
    %mul3A_55 = arith.muli %arg1, %mul3A_54 : i32
    %add3A_56 = arith.addi %mul3A_53, %mul3A_55 : i32
    "tpu.region"() ({
      %run_scoped3A = tpu.sem_alloc : memref<!tpu.dma_semaphore, #tpu.memory_space<semaphore_mem>>
      %dma_start3A_57 = arith.constant 0 : i32
      %dma_start3A_58 = tpu.memref_slice %arg6[%add3A_56, %dma_start3A_57] : memref<20480x128xf32, #tpu.memory_space<hbm>> -> memref<640x128xf32, #tpu.memory_space<hbm>>
      %dma_start3A_59 = arith.constant 0 : i32
      %dma_start3A_60 = tpu.memref_slice %arg11[%mul3A_51, %dma_start3A_59] : memref<10240x128xf32, #tpu.memory_space<vmem_shared>> -> memref<640x128xf32, #tpu.memory_space<vmem_shared>>
      tpu.enqueue_dma source(%dma_start3A_60 : memref<640x128xf32, #tpu.memory_space<vmem_shared>>) target(%dma_start3A_58 : memref<640x128xf32, #tpu.memory_space<hbm>>) target_semaphore(%run_scoped3A : memref<!tpu.dma_semaphore, #tpu.memory_space<semaphore_mem>>)
      %dma_wait3A = arith.constant 0 : i32
      %dma_wait3A_61 = tpu.memref_slice %arg6[%add3A_56, %dma_wait3A] : memref<20480x128xf32, #tpu.memory_space<hbm>> -> memref<640x128xf32, #tpu.memory_space<hbm>>
      %dma_wait3A_62 = arith.constant 0 : i32
      %dma_wait3A_63 = tpu.memref_slice %arg11[%mul3A_51, %dma_wait3A_62] : memref<10240x128xf32, #tpu.memory_space<vmem_shared>> -> memref<640x128xf32, #tpu.memory_space<vmem_shared>>
      tpu.wait_dma2 semaphore(%run_scoped3A : memref<!tpu.dma_semaphore, #tpu.memory_space<semaphore_mem>>) src(%dma_wait3A_63 : memref<640x128xf32, #tpu.memory_space<vmem_shared>>) dst(%dma_wait3A_61 : memref<640x128xf32, #tpu.memory_space<hbm>>)
      tpu.yield
    }) : () -> ()
    return
  }
}

#map = affine_map<(d0, d1) -> (0, 0)>
module attributes {stable_mosaic.version = 14 : i64} {
  func.func @deg_kernel(%arg0: i32, %arg1: i32, %arg2: memref<2560x128xi32, #tpu.memory_space<hbm>>, %arg3: memref<128x128xf32, #tpu.memory_space<hbm>>, %arg4: memref<640x128xf32, #tpu.memory_space<hbm>>, %arg5: memref<20480x128xf32, #tpu.memory_space<hbm>>, %arg6: memref<80x128xi32, #tpu.memory_space<vmem>>, %arg7: memref<128x128xf32, #tpu.memory_space<vmem>>, %arg8: memref<10240x128xf32, #tpu.memory_space<vmem_shared>>) attributes {dimension_semantics = [#tpu.dimension_semantics<core_parallel>, #tpu.dimension_semantics<subcore_parallel>], iteration_bounds = array<i64: 2, 16>, scalar_prefetch = 0 : i64, scratch_operands = 3 : i64, tpu.core_type = #tpu.core_type<sc_vector_subcore>, window_params = [{transform_indices = #map}, {transform_indices = #map}, {transform_indices = #map}, {transform_indices = #map}]} {
    %mul3A = arith.constant 2 : i32
    %mul3A_0 = arith.muli %arg1, %mul3A : i32
    %add3A = arith.addi %mul3A_0, %arg0 : i32
    %mul3A_1 = arith.constant 640 : i32
    %mul3A_2 = arith.muli %arg1, %mul3A_1 : i32
    "tpu.region"() ({
      %run_scoped3A = tpu.sem_alloc : memref<!tpu.dma_semaphore, #tpu.memory_space<semaphore_mem>>
      %dma_start3A = arith.constant 0 : i32
      %dma_start3A_17 = tpu.memref_slice %arg8[%mul3A_2, %dma_start3A] : memref<10240x128xf32, #tpu.memory_space<vmem_shared>> -> memref<640x128xf32, #tpu.memory_space<vmem_shared>>
      tpu.enqueue_dma source(%arg4 : memref<640x128xf32, #tpu.memory_space<hbm>>) target(%dma_start3A_17 : memref<640x128xf32, #tpu.memory_space<vmem_shared>>) target_semaphore(%run_scoped3A : memref<!tpu.dma_semaphore, #tpu.memory_space<semaphore_mem>>)
      %dma_wait3A = arith.constant 0 : i32
      %dma_wait3A_18 = tpu.memref_slice %arg8[%mul3A_2, %dma_wait3A] : memref<10240x128xf32, #tpu.memory_space<vmem_shared>> -> memref<640x128xf32, #tpu.memory_space<vmem_shared>>
      tpu.wait_dma2 semaphore(%run_scoped3A : memref<!tpu.dma_semaphore, #tpu.memory_space<semaphore_mem>>) src(%arg4 : memref<640x128xf32, #tpu.memory_space<hbm>>) dst(%dma_wait3A_18 : memref<640x128xf32, #tpu.memory_space<vmem_shared>>)
      tpu.yield
    }) : () -> ()
    "tpu.region"() ({
      %run_scoped3A = tpu.sem_alloc : memref<!tpu.dma_semaphore, #tpu.memory_space<semaphore_mem>>
      tpu.enqueue_dma source(%arg3 : memref<128x128xf32, #tpu.memory_space<hbm>>) target(%arg7 : memref<128x128xf32, #tpu.memory_space<vmem>>) target_semaphore(%run_scoped3A : memref<!tpu.dma_semaphore, #tpu.memory_space<semaphore_mem>>)
      tpu.wait_dma2 semaphore(%run_scoped3A : memref<!tpu.dma_semaphore, #tpu.memory_space<semaphore_mem>>) src(%arg3 : memref<128x128xf32, #tpu.memory_space<hbm>>) dst(%arg7 : memref<128x128xf32, #tpu.memory_space<vmem>>)
      tpu.yield
    }) : () -> ()
    %mul3A_3 = arith.constant 80 : i32
    %mul3A_4 = arith.muli %add3A, %mul3A_3 : i32
    "tpu.region"() ({
      %run_scoped3A = tpu.sem_alloc : memref<!tpu.dma_semaphore, #tpu.memory_space<semaphore_mem>>
      %dma_start3A = arith.constant 0 : i32
      %dma_start3A_17 = tpu.memref_slice %arg2[%mul3A_4, %dma_start3A] : memref<2560x128xi32, #tpu.memory_space<hbm>> -> memref<80x128xi32, #tpu.memory_space<hbm>>
      %dma_start3A_18 = arith.constant 0 : i32
      %dma_start3A_19 = tpu.memref_slice %arg2[%mul3A_4, %dma_start3A_18] : memref<2560x128xi32, #tpu.memory_space<hbm>> -> memref<80x128xi32, #tpu.memory_space<hbm>>
      tpu.enqueue_dma source(%dma_start3A_19 : memref<80x128xi32, #tpu.memory_space<hbm>>) target(%arg6 : memref<80x128xi32, #tpu.memory_space<vmem>>) target_semaphore(%run_scoped3A : memref<!tpu.dma_semaphore, #tpu.memory_space<semaphore_mem>>)
      %dma_wait3A = arith.constant 0 : i32
      %dma_wait3A_20 = tpu.memref_slice %arg2[%mul3A_4, %dma_wait3A] : memref<2560x128xi32, #tpu.memory_space<hbm>> -> memref<80x128xi32, #tpu.memory_space<hbm>>
      %dma_wait3A_21 = arith.constant 0 : i32
      %dma_wait3A_22 = tpu.memref_slice %arg2[%mul3A_4, %dma_wait3A_21] : memref<2560x128xi32, #tpu.memory_space<hbm>> -> memref<80x128xi32, #tpu.memory_space<hbm>>
      tpu.wait_dma2 semaphore(%run_scoped3A : memref<!tpu.dma_semaphore, #tpu.memory_space<semaphore_mem>>) src(%dma_wait3A_22 : memref<80x128xi32, #tpu.memory_space<hbm>>) dst(%arg6 : memref<80x128xi32, #tpu.memory_space<vmem>>)
      tpu.yield
    }) : () -> ()
    %barrier3A = arith.constant 0 : index
    tpu.barrier barrier_id(%barrier3A)
    %scan3A = arith.constant 0 : i32
    %scan3A_5 = arith.constant 80 : i32
    %scan3A_6 = arith.addi %scan3A, %scan3A_5 : i32
    %scan3A_7 = arith.constant 1 : i32
    scf.for %scan3A_17 = %scan3A to %scan3A_6 step %scan3A_7  : i32 {
      %mul3A_18 = arith.constant 1 : i32
      %mul3A_19 = arith.muli %scan3A_17, %mul3A_18 : i32
      %add3A_20 = arith.constant 0 : i32
      %add3A_21 = arith.addi %add3A_20, %mul3A_19 : i32
      "tpu.region"() ({
        %run_scoped3A = tpu.sem_alloc : memref<!tpu.dma_semaphore, #tpu.memory_space<semaphore_mem>>
        %dma_start3A = arith.constant 0 : i32
        %dma_start3A_22 = tpu.memref_slice %arg6[%add3A_21, %dma_start3A] : memref<80x128xi32, #tpu.memory_space<vmem>> -> memref<1x128xi32, #tpu.memory_space<vmem>>
        %dma_start3A_23 = tpu.memref_squeeze %dma_start3A_22 : memref<1x128xi32, #tpu.memory_space<vmem>> -> memref<128xi32, #tpu.memory_space<vmem>>
        %dma_start3A_24 = arith.constant 0 : i32
        %dma_start3A_25 = arith.constant 0 : i32
        %dma_start3A_26 = tpu.memref_slice %arg8[%dma_start3A_24, %dma_start3A_25] : memref<10240x128xf32, #tpu.memory_space<vmem_shared>> -> memref<10240x128xf32, #tpu.memory_space<vmem_shared>>
        tpu.enqueue_indirect_dma source(%arg7 : memref<128x128xf32, #tpu.memory_space<vmem>>) target(%dma_start3A_26 : memref<10240x128xf32, #tpu.memory_space<vmem_shared>>) offsets(%dma_start3A_23 : memref<128xi32, #tpu.memory_space<vmem>>) semaphore(%run_scoped3A : memref<!tpu.dma_semaphore, #tpu.memory_space<semaphore_mem>>) {add = true}
        %dma_wait3A = arith.constant 0 : i32
        %dma_wait3A_27 = tpu.memref_slice %arg6[%add3A_21, %dma_wait3A] : memref<80x128xi32, #tpu.memory_space<vmem>> -> memref<1x128xi32, #tpu.memory_space<vmem>>
        %dma_wait3A_28 = tpu.memref_squeeze %dma_wait3A_27 : memref<1x128xi32, #tpu.memory_space<vmem>> -> memref<128xi32, #tpu.memory_space<vmem>>
        %dma_wait3A_29 = arith.constant 0 : i32
        %dma_wait3A_30 = arith.constant 0 : i32
        %dma_wait3A_31 = tpu.memref_slice %arg8[%dma_wait3A_29, %dma_wait3A_30] : memref<10240x128xf32, #tpu.memory_space<vmem_shared>> -> memref<10240x128xf32, #tpu.memory_space<vmem_shared>>
        tpu.wait_indirect_dma semaphore(%run_scoped3A : memref<!tpu.dma_semaphore, #tpu.memory_space<semaphore_mem>>) src(%arg7 : memref<128x128xf32, #tpu.memory_space<vmem>>) dst(%dma_wait3A_31 : memref<10240x128xf32, #tpu.memory_space<vmem_shared>>)
        tpu.yield
      }) : () -> ()
    }
    %scan3A_8 = arith.constant 80 : i32
    %barrier3A_9 = arith.constant 0 : index
    tpu.barrier barrier_id(%barrier3A_9)
    %mul3A_10 = arith.constant 640 : i32
    %mul3A_11 = arith.muli %arg1, %mul3A_10 : i32
    %mul3A_12 = arith.constant 10240 : i32
    %mul3A_13 = arith.muli %arg0, %mul3A_12 : i32
    %mul3A_14 = arith.constant 640 : i32
    %mul3A_15 = arith.muli %arg1, %mul3A_14 : i32
    %add3A_16 = arith.addi %mul3A_13, %mul3A_15 : i32
    "tpu.region"() ({
      %run_scoped3A = tpu.sem_alloc : memref<!tpu.dma_semaphore, #tpu.memory_space<semaphore_mem>>
      %dma_start3A = arith.constant 0 : i32
      %dma_start3A_17 = tpu.memref_slice %arg5[%add3A_16, %dma_start3A] : memref<20480x128xf32, #tpu.memory_space<hbm>> -> memref<640x128xf32, #tpu.memory_space<hbm>>
      %dma_start3A_18 = arith.constant 0 : i32
      %dma_start3A_19 = tpu.memref_slice %arg8[%mul3A_11, %dma_start3A_18] : memref<10240x128xf32, #tpu.memory_space<vmem_shared>> -> memref<640x128xf32, #tpu.memory_space<vmem_shared>>
      tpu.enqueue_dma source(%dma_start3A_19 : memref<640x128xf32, #tpu.memory_space<vmem_shared>>) target(%dma_start3A_17 : memref<640x128xf32, #tpu.memory_space<hbm>>) target_semaphore(%run_scoped3A : memref<!tpu.dma_semaphore, #tpu.memory_space<semaphore_mem>>)
      %dma_wait3A = arith.constant 0 : i32
      %dma_wait3A_20 = tpu.memref_slice %arg5[%add3A_16, %dma_wait3A] : memref<20480x128xf32, #tpu.memory_space<hbm>> -> memref<640x128xf32, #tpu.memory_space<hbm>>
      %dma_wait3A_21 = arith.constant 0 : i32
      %dma_wait3A_22 = tpu.memref_slice %arg8[%mul3A_11, %dma_wait3A_21] : memref<10240x128xf32, #tpu.memory_space<vmem_shared>> -> memref<640x128xf32, #tpu.memory_space<vmem_shared>>
      tpu.wait_dma2 semaphore(%run_scoped3A : memref<!tpu.dma_semaphore, #tpu.memory_space<semaphore_mem>>) src(%dma_wait3A_22 : memref<640x128xf32, #tpu.memory_space<vmem_shared>>) dst(%dma_wait3A_20 : memref<640x128xf32, #tpu.memory_space<hbm>>)
      tpu.yield
    }) : () -> ()
    return
  }
}

#map = affine_map<(d0, d1) -> (0, 0)>
module attributes {stable_mosaic.version = 14 : i64} {
  func.func @agg_kernel(%arg0: i32, %arg1: i32, %arg2: memref<10240x128xf32, #tpu.memory_space<hbm>>, %arg3: memref<2560x128xi32, #tpu.memory_space<hbm>>, %arg4: memref<2560x128xi32, #tpu.memory_space<hbm>>, %arg5: memref<640x128xf32, #tpu.memory_space<hbm>>, %arg6: memref<20480x128xf32, #tpu.memory_space<hbm>>, %arg7: memref<40x128xi32, #tpu.memory_space<vmem>>, %arg8: memref<40x128xi32, #tpu.memory_space<vmem>>, %arg9: memref<128x128xf32, #tpu.memory_space<vmem>>, %arg10: memref<128x128xf32, #tpu.memory_space<vmem>>, %arg11: memref<10240x128xf32, #tpu.memory_space<vmem_shared>>, %arg12: memref<!tpu.dma_semaphore, #tpu.memory_space<semaphore_mem>>, %arg13: memref<!tpu.dma_semaphore, #tpu.memory_space<semaphore_mem>>) attributes {dimension_semantics = [#tpu.dimension_semantics<core_parallel>, #tpu.dimension_semantics<subcore_parallel>], iteration_bounds = array<i64: 2, 16>, scalar_prefetch = 0 : i64, scratch_operands = 7 : i64, tpu.core_type = #tpu.core_type<sc_vector_subcore>, window_params = [{transform_indices = #map}, {transform_indices = #map}, {transform_indices = #map}, {transform_indices = #map}, {transform_indices = #map}]} {
    %mul3A = arith.constant 2 : i32
    %mul3A_0 = arith.muli %arg1, %mul3A : i32
    %add3A = arith.addi %mul3A_0, %arg0 : i32
    %mul3A_1 = arith.constant 80 : i32
    %mul3A_2 = arith.muli %add3A, %mul3A_1 : i32
    %mul3A_3 = arith.constant 640 : i32
    %mul3A_4 = arith.muli %arg1, %mul3A_3 : i32
    "tpu.region"() ({
      %run_scoped3A = tpu.sem_alloc : memref<!tpu.dma_semaphore, #tpu.memory_space<semaphore_mem>>
      %dma_start3A_57 = arith.constant 0 : i32
      %dma_start3A_58 = tpu.memref_slice %arg11[%mul3A_4, %dma_start3A_57] : memref<10240x128xf32, #tpu.memory_space<vmem_shared>> -> memref<640x128xf32, #tpu.memory_space<vmem_shared>>
      tpu.enqueue_dma source(%arg5 : memref<640x128xf32, #tpu.memory_space<hbm>>) target(%dma_start3A_58 : memref<640x128xf32, #tpu.memory_space<vmem_shared>>) target_semaphore(%run_scoped3A : memref<!tpu.dma_semaphore, #tpu.memory_space<semaphore_mem>>)
      %dma_wait3A = arith.constant 0 : i32
      %dma_wait3A_59 = tpu.memref_slice %arg11[%mul3A_4, %dma_wait3A] : memref<10240x128xf32, #tpu.memory_space<vmem_shared>> -> memref<640x128xf32, #tpu.memory_space<vmem_shared>>
      tpu.wait_dma2 semaphore(%run_scoped3A : memref<!tpu.dma_semaphore, #tpu.memory_space<semaphore_mem>>) src(%arg5 : memref<640x128xf32, #tpu.memory_space<hbm>>) dst(%dma_wait3A_59 : memref<640x128xf32, #tpu.memory_space<vmem_shared>>)
      tpu.yield
    }) : () -> ()
    %barrier3A = arith.constant 0 : index
    tpu.barrier barrier_id(%barrier3A)
    %add3A_5 = arith.constant 0 : i32
    %add3A_6 = arith.addi %mul3A_2, %add3A_5 : i32
    "tpu.region"() ({
      %run_scoped3A = tpu.sem_alloc : memref<!tpu.dma_semaphore, #tpu.memory_space<semaphore_mem>>
      %dma_start3A_57 = arith.constant 0 : i32
      %dma_start3A_58 = tpu.memref_slice %arg3[%add3A_6, %dma_start3A_57] : memref<2560x128xi32, #tpu.memory_space<hbm>> -> memref<40x128xi32, #tpu.memory_space<hbm>>
      %dma_start3A_59 = arith.constant 0 : i32
      %dma_start3A_60 = tpu.memref_slice %arg3[%add3A_6, %dma_start3A_59] : memref<2560x128xi32, #tpu.memory_space<hbm>> -> memref<40x128xi32, #tpu.memory_space<hbm>>
      tpu.enqueue_dma source(%dma_start3A_60 : memref<40x128xi32, #tpu.memory_space<hbm>>) target(%arg7 : memref<40x128xi32, #tpu.memory_space<vmem>>) target_semaphore(%run_scoped3A : memref<!tpu.dma_semaphore, #tpu.memory_space<semaphore_mem>>)
      %dma_wait3A = arith.constant 0 : i32
      %dma_wait3A_61 = tpu.memref_slice %arg3[%add3A_6, %dma_wait3A] : memref<2560x128xi32, #tpu.memory_space<hbm>> -> memref<40x128xi32, #tpu.memory_space<hbm>>
      %dma_wait3A_62 = arith.constant 0 : i32
      %dma_wait3A_63 = tpu.memref_slice %arg3[%add3A_6, %dma_wait3A_62] : memref<2560x128xi32, #tpu.memory_space<hbm>> -> memref<40x128xi32, #tpu.memory_space<hbm>>
      tpu.wait_dma2 semaphore(%run_scoped3A : memref<!tpu.dma_semaphore, #tpu.memory_space<semaphore_mem>>) src(%dma_wait3A_63 : memref<40x128xi32, #tpu.memory_space<hbm>>) dst(%arg7 : memref<40x128xi32, #tpu.memory_space<vmem>>)
      tpu.yield
    }) : () -> ()
    %add3A_7 = arith.constant 0 : i32
    %add3A_8 = arith.addi %mul3A_2, %add3A_7 : i32
    "tpu.region"() ({
      %run_scoped3A = tpu.sem_alloc : memref<!tpu.dma_semaphore, #tpu.memory_space<semaphore_mem>>
      %dma_start3A_57 = arith.constant 0 : i32
      %dma_start3A_58 = tpu.memref_slice %arg4[%add3A_8, %dma_start3A_57] : memref<2560x128xi32, #tpu.memory_space<hbm>> -> memref<40x128xi32, #tpu.memory_space<hbm>>
      %dma_start3A_59 = arith.constant 0 : i32
      %dma_start3A_60 = tpu.memref_slice %arg4[%add3A_8, %dma_start3A_59] : memref<2560x128xi32, #tpu.memory_space<hbm>> -> memref<40x128xi32, #tpu.memory_space<hbm>>
      tpu.enqueue_dma source(%dma_start3A_60 : memref<40x128xi32, #tpu.memory_space<hbm>>) target(%arg8 : memref<40x128xi32, #tpu.memory_space<vmem>>) target_semaphore(%run_scoped3A : memref<!tpu.dma_semaphore, #tpu.memory_space<semaphore_mem>>)
      %dma_wait3A = arith.constant 0 : i32
      %dma_wait3A_61 = tpu.memref_slice %arg4[%add3A_8, %dma_wait3A] : memref<2560x128xi32, #tpu.memory_space<hbm>> -> memref<40x128xi32, #tpu.memory_space<hbm>>
      %dma_wait3A_62 = arith.constant 0 : i32
      %dma_wait3A_63 = tpu.memref_slice %arg4[%add3A_8, %dma_wait3A_62] : memref<2560x128xi32, #tpu.memory_space<hbm>> -> memref<40x128xi32, #tpu.memory_space<hbm>>
      tpu.wait_dma2 semaphore(%run_scoped3A : memref<!tpu.dma_semaphore, #tpu.memory_space<semaphore_mem>>) src(%dma_wait3A_63 : memref<40x128xi32, #tpu.memory_space<hbm>>) dst(%arg8 : memref<40x128xi32, #tpu.memory_space<vmem>>)
      tpu.yield
    }) : () -> ()
    %dma_start3A = arith.constant 0 : i32
    %dma_start3A_9 = arith.constant 0 : i32
    %dma_start3A_10 = tpu.memref_slice %arg7[%dma_start3A, %dma_start3A_9] : memref<40x128xi32, #tpu.memory_space<vmem>> -> memref<1x128xi32, #tpu.memory_space<vmem>>
    %dma_start3A_11 = tpu.memref_squeeze %dma_start3A_10 : memref<1x128xi32, #tpu.memory_space<vmem>> -> memref<128xi32, #tpu.memory_space<vmem>>
    %dma_start3A_12 = arith.constant 0 : i32
    %dma_start3A_13 = arith.constant 0 : i32
    %dma_start3A_14 = tpu.memref_slice %arg2[%dma_start3A_12, %dma_start3A_13] : memref<10240x128xf32, #tpu.memory_space<hbm>> -> memref<10240x128xf32, #tpu.memory_space<hbm>>
    tpu.enqueue_indirect_dma source(%dma_start3A_14 : memref<10240x128xf32, #tpu.memory_space<hbm>>) target(%arg9 : memref<128x128xf32, #tpu.memory_space<vmem>>) offsets(%dma_start3A_11 : memref<128xi32, #tpu.memory_space<vmem>>) semaphore(%arg12 : memref<!tpu.dma_semaphore, #tpu.memory_space<semaphore_mem>>)
    %dma_start3A_15 = arith.constant 1 : i32
    %dma_start3A_16 = arith.constant 0 : i32
    %dma_start3A_17 = tpu.memref_slice %arg7[%dma_start3A_15, %dma_start3A_16] : memref<40x128xi32, #tpu.memory_space<vmem>> -> memref<1x128xi32, #tpu.memory_space<vmem>>
    %dma_start3A_18 = tpu.memref_squeeze %dma_start3A_17 : memref<1x128xi32, #tpu.memory_space<vmem>> -> memref<128xi32, #tpu.memory_space<vmem>>
    %dma_start3A_19 = arith.constant 0 : i32
    %dma_start3A_20 = arith.constant 0 : i32
    %dma_start3A_21 = tpu.memref_slice %arg2[%dma_start3A_19, %dma_start3A_20] : memref<10240x128xf32, #tpu.memory_space<hbm>> -> memref<10240x128xf32, #tpu.memory_space<hbm>>
    tpu.enqueue_indirect_dma source(%dma_start3A_21 : memref<10240x128xf32, #tpu.memory_space<hbm>>) target(%arg10 : memref<128x128xf32, #tpu.memory_space<vmem>>) offsets(%dma_start3A_18 : memref<128xi32, #tpu.memory_space<vmem>>) semaphore(%arg13 : memref<!tpu.dma_semaphore, #tpu.memory_space<semaphore_mem>>)
    %scan3A = arith.constant 0 : i32
    %scan3A_22 = arith.constant 20 : i32
    %scan3A_23 = arith.addi %scan3A, %scan3A_22 : i32
    %scan3A_24 = arith.constant 1 : i32
    scf.for %scan3A_57 = %scan3A to %scan3A_23 step %scan3A_24  : i32 {
      %mul3A_58 = arith.constant 2 : i32
      %mul3A_59 = arith.muli %scan3A_57, %mul3A_58 : i32
      %add3A_60 = arith.constant 0 : i32
      %add3A_61 = arith.addi %add3A_60, %mul3A_59 : i32
      %add3A_62 = arith.constant 0 : i32
      %add3A_63 = arith.addi %add3A_61, %add3A_62 : i32
      %dma_wait3A = arith.constant 0 : i32
      %dma_wait3A_64 = tpu.memref_slice %arg7[%add3A_63, %dma_wait3A] : memref<40x128xi32, #tpu.memory_space<vmem>> -> memref<1x128xi32, #tpu.memory_space<vmem>>
      %dma_wait3A_65 = tpu.memref_squeeze %dma_wait3A_64 : memref<1x128xi32, #tpu.memory_space<vmem>> -> memref<128xi32, #tpu.memory_space<vmem>>
      %dma_wait3A_66 = arith.constant 0 : i32
      %dma_wait3A_67 = arith.constant 0 : i32
      %dma_wait3A_68 = tpu.memref_slice %arg2[%dma_wait3A_66, %dma_wait3A_67] : memref<10240x128xf32, #tpu.memory_space<hbm>> -> memref<10240x128xf32, #tpu.memory_space<hbm>>
      tpu.wait_indirect_dma semaphore(%arg12 : memref<!tpu.dma_semaphore, #tpu.memory_space<semaphore_mem>>) src(%dma_wait3A_68 : memref<10240x128xf32, #tpu.memory_space<hbm>>) dst(%arg9 : memref<128x128xf32, #tpu.memory_space<vmem>>)
      %add3A_69 = arith.constant 0 : i32
      %add3A_70 = arith.addi %add3A_61, %add3A_69 : i32
      "tpu.region"() ({
        %run_scoped3A = tpu.sem_alloc : memref<!tpu.dma_semaphore, #tpu.memory_space<semaphore_mem>>
        %dma_start3A_96 = arith.constant 0 : i32
        %dma_start3A_97 = tpu.memref_slice %arg8[%add3A_70, %dma_start3A_96] : memref<40x128xi32, #tpu.memory_space<vmem>> -> memref<1x128xi32, #tpu.memory_space<vmem>>
        %dma_start3A_98 = tpu.memref_squeeze %dma_start3A_97 : memref<1x128xi32, #tpu.memory_space<vmem>> -> memref<128xi32, #tpu.memory_space<vmem>>
        %dma_start3A_99 = arith.constant 0 : i32
        %dma_start3A_100 = arith.constant 0 : i32
        %dma_start3A_101 = tpu.memref_slice %arg11[%dma_start3A_99, %dma_start3A_100] : memref<10240x128xf32, #tpu.memory_space<vmem_shared>> -> memref<10240x128xf32, #tpu.memory_space<vmem_shared>>
        tpu.enqueue_indirect_dma source(%arg9 : memref<128x128xf32, #tpu.memory_space<vmem>>) target(%dma_start3A_101 : memref<10240x128xf32, #tpu.memory_space<vmem_shared>>) offsets(%dma_start3A_98 : memref<128xi32, #tpu.memory_space<vmem>>) semaphore(%run_scoped3A : memref<!tpu.dma_semaphore, #tpu.memory_space<semaphore_mem>>) {add = true}
        %dma_wait3A_102 = arith.constant 0 : i32
        %dma_wait3A_103 = tpu.memref_slice %arg8[%add3A_70, %dma_wait3A_102] : memref<40x128xi32, #tpu.memory_space<vmem>> -> memref<1x128xi32, #tpu.memory_space<vmem>>
        %dma_wait3A_104 = tpu.memref_squeeze %dma_wait3A_103 : memref<1x128xi32, #tpu.memory_space<vmem>> -> memref<128xi32, #tpu.memory_space<vmem>>
        %dma_wait3A_105 = arith.constant 0 : i32
        %dma_wait3A_106 = arith.constant 0 : i32
        %dma_wait3A_107 = tpu.memref_slice %arg11[%dma_wait3A_105, %dma_wait3A_106] : memref<10240x128xf32, #tpu.memory_space<vmem_shared>> -> memref<10240x128xf32, #tpu.memory_space<vmem_shared>>
        tpu.wait_indirect_dma semaphore(%run_scoped3A : memref<!tpu.dma_semaphore, #tpu.memory_space<semaphore_mem>>) src(%arg9 : memref<128x128xf32, #tpu.memory_space<vmem>>) dst(%dma_wait3A_107 : memref<10240x128xf32, #tpu.memory_space<vmem_shared>>)
        tpu.yield
      }) : () -> ()
      %add3A_71 = arith.constant 0 : i32
      %add3A_72 = arith.addi %add3A_61, %add3A_71 : i32
      %add3A_73 = arith.constant 2 : i32
      %add3A_74 = arith.addi %add3A_72, %add3A_73 : i32
      %lt3A = arith.constant 40 : i32
      %lt3A_75 = arith.cmpi slt, %add3A_74, %lt3A : i32
      %convert_element_type3A = arith.extui %lt3A_75 : i1 to i32
      %cond3A = arith.constant 0 : i32
      %cond3A_76 = arith.cmpi ne, %convert_element_type3A, %cond3A : i32
      scf.if %cond3A_76 {
        %add3A_96 = arith.constant 0 : i32
        %add3A_97 = arith.addi %add3A_61, %add3A_96 : i32
        %add3A_98 = arith.constant 2 : i32
        %add3A_99 = arith.addi %add3A_97, %add3A_98 : i32
        %dma_start3A_100 = arith.constant 0 : i32
        %dma_start3A_101 = tpu.memref_slice %arg7[%add3A_99, %dma_start3A_100] : memref<40x128xi32, #tpu.memory_space<vmem>> -> memref<1x128xi32, #tpu.memory_space<vmem>>
        %dma_start3A_102 = tpu.memref_squeeze %dma_start3A_101 : memref<1x128xi32, #tpu.memory_space<vmem>> -> memref<128xi32, #tpu.memory_space<vmem>>
        %dma_start3A_103 = arith.constant 0 : i32
        %dma_start3A_104 = arith.constant 0 : i32
        %dma_start3A_105 = tpu.memref_slice %arg2[%dma_start3A_103, %dma_start3A_104] : memref<10240x128xf32, #tpu.memory_space<hbm>> -> memref<10240x128xf32, #tpu.memory_space<hbm>>
        tpu.enqueue_indirect_dma source(%dma_start3A_105 : memref<10240x128xf32, #tpu.memory_space<hbm>>) target(%arg9 : memref<128x128xf32, #tpu.memory_space<vmem>>) offsets(%dma_start3A_102 : memref<128xi32, #tpu.memory_space<vmem>>) semaphore(%arg12 : memref<!tpu.dma_semaphore, #tpu.memory_space<semaphore_mem>>)
      } else {
      }
      %add3A_77 = arith.constant 1 : i32
      %add3A_78 = arith.addi %add3A_61, %add3A_77 : i32
      %dma_wait3A_79 = arith.constant 0 : i32
      %dma_wait3A_80 = tpu.memref_slice %arg7[%add3A_78, %dma_wait3A_79] : memref<40x128xi32, #tpu.memory_space<vmem>> -> memref<1x128xi32, #tpu.memory_space<vmem>>
      %dma_wait3A_81 = tpu.memref_squeeze %dma_wait3A_80 : memref<1x128xi32, #tpu.memory_space<vmem>> -> memref<128xi32, #tpu.memory_space<vmem>>
      %dma_wait3A_82 = arith.constant 0 : i32
      %dma_wait3A_83 = arith.constant 0 : i32
      %dma_wait3A_84 = tpu.memref_slice %arg2[%dma_wait3A_82, %dma_wait3A_83] : memref<10240x128xf32, #tpu.memory_space<hbm>> -> memref<10240x128xf32, #tpu.memory_space<hbm>>
      tpu.wait_indirect_dma semaphore(%arg13 : memref<!tpu.dma_semaphore, #tpu.memory_space<semaphore_mem>>) src(%dma_wait3A_84 : memref<10240x128xf32, #tpu.memory_space<hbm>>) dst(%arg10 : memref<128x128xf32, #tpu.memory_space<vmem>>)
      %add3A_85 = arith.constant 1 : i32
      %add3A_86 = arith.addi %add3A_61, %add3A_85 : i32
      "tpu.region"() ({
        %run_scoped3A = tpu.sem_alloc : memref<!tpu.dma_semaphore, #tpu.memory_space<semaphore_mem>>
        %dma_start3A_96 = arith.constant 0 : i32
        %dma_start3A_97 = tpu.memref_slice %arg8[%add3A_86, %dma_start3A_96] : memref<40x128xi32, #tpu.memory_space<vmem>> -> memref<1x128xi32, #tpu.memory_space<vmem>>
        %dma_start3A_98 = tpu.memref_squeeze %dma_start3A_97 : memref<1x128xi32, #tpu.memory_space<vmem>> -> memref<128xi32, #tpu.memory_space<vmem>>
        %dma_start3A_99 = arith.constant 0 : i32
        %dma_start3A_100 = arith.constant 0 : i32
        %dma_start3A_101 = tpu.memref_slice %arg11[%dma_start3A_99, %dma_start3A_100] : memref<10240x128xf32, #tpu.memory_space<vmem_shared>> -> memref<10240x128xf32, #tpu.memory_space<vmem_shared>>
        tpu.enqueue_indirect_dma source(%arg10 : memref<128x128xf32, #tpu.memory_space<vmem>>) target(%dma_start3A_101 : memref<10240x128xf32, #tpu.memory_space<vmem_shared>>) offsets(%dma_start3A_98 : memref<128xi32, #tpu.memory_space<vmem>>) semaphore(%run_scoped3A : memref<!tpu.dma_semaphore, #tpu.memory_space<semaphore_mem>>) {add = true}
        %dma_wait3A_102 = arith.constant 0 : i32
        %dma_wait3A_103 = tpu.memref_slice %arg8[%add3A_86, %dma_wait3A_102] : memref<40x128xi32, #tpu.memory_space<vmem>> -> memref<1x128xi32, #tpu.memory_space<vmem>>
        %dma_wait3A_104 = tpu.memref_squeeze %dma_wait3A_103 : memref<1x128xi32, #tpu.memory_space<vmem>> -> memref<128xi32, #tpu.memory_space<vmem>>
        %dma_wait3A_105 = arith.constant 0 : i32
        %dma_wait3A_106 = arith.constant 0 : i32
        %dma_wait3A_107 = tpu.memref_slice %arg11[%dma_wait3A_105, %dma_wait3A_106] : memref<10240x128xf32, #tpu.memory_space<vmem_shared>> -> memref<10240x128xf32, #tpu.memory_space<vmem_shared>>
        tpu.wait_indirect_dma semaphore(%run_scoped3A : memref<!tpu.dma_semaphore, #tpu.memory_space<semaphore_mem>>) src(%arg10 : memref<128x128xf32, #tpu.memory_space<vmem>>) dst(%dma_wait3A_107 : memref<10240x128xf32, #tpu.memory_space<vmem_shared>>)
        tpu.yield
      }) : () -> ()
      %add3A_87 = arith.constant 1 : i32
      %add3A_88 = arith.addi %add3A_61, %add3A_87 : i32
      %add3A_89 = arith.constant 2 : i32
      %add3A_90 = arith.addi %add3A_88, %add3A_89 : i32
      %lt3A_91 = arith.constant 40 : i32
      %lt3A_92 = arith.cmpi slt, %add3A_90, %lt3A_91 : i32
      %convert_element_type3A_93 = arith.extui %lt3A_92 : i1 to i32
      %cond3A_94 = arith.constant 0 : i32
      %cond3A_95 = arith.cmpi ne, %convert_element_type3A_93, %cond3A_94 : i32
      scf.if %cond3A_95 {
        %add3A_96 = arith.constant 1 : i32
        %add3A_97 = arith.addi %add3A_61, %add3A_96 : i32
        %add3A_98 = arith.constant 2 : i32
        %add3A_99 = arith.addi %add3A_97, %add3A_98 : i32
        %dma_start3A_100 = arith.constant 0 : i32
        %dma_start3A_101 = tpu.memref_slice %arg7[%add3A_99, %dma_start3A_100] : memref<40x128xi32, #tpu.memory_space<vmem>> -> memref<1x128xi32, #tpu.memory_space<vmem>>
        %dma_start3A_102 = tpu.memref_squeeze %dma_start3A_101 : memref<1x128xi32, #tpu.memory_space<vmem>> -> memref<128xi32, #tpu.memory_space<vmem>>
        %dma_start3A_103 = arith.constant 0 : i32
        %dma_start3A_104 = arith.constant 0 : i32
        %dma_start3A_105 = tpu.memref_slice %arg2[%dma_start3A_103, %dma_start3A_104] : memref<10240x128xf32, #tpu.memory_space<hbm>> -> memref<10240x128xf32, #tpu.memory_space<hbm>>
        tpu.enqueue_indirect_dma source(%dma_start3A_105 : memref<10240x128xf32, #tpu.memory_space<hbm>>) target(%arg10 : memref<128x128xf32, #tpu.memory_space<vmem>>) offsets(%dma_start3A_102 : memref<128xi32, #tpu.memory_space<vmem>>) semaphore(%arg13 : memref<!tpu.dma_semaphore, #tpu.memory_space<semaphore_mem>>)
      } else {
      }
    }
    %scan3A_25 = arith.constant 20 : i32
    %add3A_26 = arith.constant 40 : i32
    %add3A_27 = arith.addi %mul3A_2, %add3A_26 : i32
    "tpu.region"() ({
      %run_scoped3A = tpu.sem_alloc : memref<!tpu.dma_semaphore, #tpu.memory_space<semaphore_mem>>
      %dma_start3A_57 = arith.constant 0 : i32
      %dma_start3A_58 = tpu.memref_slice %arg3[%add3A_27, %dma_start3A_57] : memref<2560x128xi32, #tpu.memory_space<hbm>> -> memref<40x128xi32, #tpu.memory_space<hbm>>
      %dma_start3A_59 = arith.constant 0 : i32
      %dma_start3A_60 = tpu.memref_slice %arg3[%add3A_27, %dma_start3A_59] : memref<2560x128xi32, #tpu.memory_space<hbm>> -> memref<40x128xi32, #tpu.memory_space<hbm>>
      tpu.enqueue_dma source(%dma_start3A_60 : memref<40x128xi32, #tpu.memory_space<hbm>>) target(%arg7 : memref<40x128xi32, #tpu.memory_space<vmem>>) target_semaphore(%run_scoped3A : memref<!tpu.dma_semaphore, #tpu.memory_space<semaphore_mem>>)
      %dma_wait3A = arith.constant 0 : i32
      %dma_wait3A_61 = tpu.memref_slice %arg3[%add3A_27, %dma_wait3A] : memref<2560x128xi32, #tpu.memory_space<hbm>> -> memref<40x128xi32, #tpu.memory_space<hbm>>
      %dma_wait3A_62 = arith.constant 0 : i32
      %dma_wait3A_63 = tpu.memref_slice %arg3[%add3A_27, %dma_wait3A_62] : memref<2560x128xi32, #tpu.memory_space<hbm>> -> memref<40x128xi32, #tpu.memory_space<hbm>>
      tpu.wait_dma2 semaphore(%run_scoped3A : memref<!tpu.dma_semaphore, #tpu.memory_space<semaphore_mem>>) src(%dma_wait3A_63 : memref<40x128xi32, #tpu.memory_space<hbm>>) dst(%arg7 : memref<40x128xi32, #tpu.memory_space<vmem>>)
      tpu.yield
    }) : () -> ()
    %add3A_28 = arith.constant 40 : i32
    %add3A_29 = arith.addi %mul3A_2, %add3A_28 : i32
    "tpu.region"() ({
      %run_scoped3A = tpu.sem_alloc : memref<!tpu.dma_semaphore, #tpu.memory_space<semaphore_mem>>
      %dma_start3A_57 = arith.constant 0 : i32
      %dma_start3A_58 = tpu.memref_slice %arg4[%add3A_29, %dma_start3A_57] : memref<2560x128xi32, #tpu.memory_space<hbm>> -> memref<40x128xi32, #tpu.memory_space<hbm>>
      %dma_start3A_59 = arith.constant 0 : i32
      %dma_start3A_60 = tpu.memref_slice %arg4[%add3A_29, %dma_start3A_59] : memref<2560x128xi32, #tpu.memory_space<hbm>> -> memref<40x128xi32, #tpu.memory_space<hbm>>
      tpu.enqueue_dma source(%dma_start3A_60 : memref<40x128xi32, #tpu.memory_space<hbm>>) target(%arg8 : memref<40x128xi32, #tpu.memory_space<vmem>>) target_semaphore(%run_scoped3A : memref<!tpu.dma_semaphore, #tpu.memory_space<semaphore_mem>>)
      %dma_wait3A = arith.constant 0 : i32
      %dma_wait3A_61 = tpu.memref_slice %arg4[%add3A_29, %dma_wait3A] : memref<2560x128xi32, #tpu.memory_space<hbm>> -> memref<40x128xi32, #tpu.memory_space<hbm>>
      %dma_wait3A_62 = arith.constant 0 : i32
      %dma_wait3A_63 = tpu.memref_slice %arg4[%add3A_29, %dma_wait3A_62] : memref<2560x128xi32, #tpu.memory_space<hbm>> -> memref<40x128xi32, #tpu.memory_space<hbm>>
      tpu.wait_dma2 semaphore(%run_scoped3A : memref<!tpu.dma_semaphore, #tpu.memory_space<semaphore_mem>>) src(%dma_wait3A_63 : memref<40x128xi32, #tpu.memory_space<hbm>>) dst(%arg8 : memref<40x128xi32, #tpu.memory_space<vmem>>)
      tpu.yield
    }) : () -> ()
    %dma_start3A_30 = arith.constant 0 : i32
    %dma_start3A_31 = arith.constant 0 : i32
    %dma_start3A_32 = tpu.memref_slice %arg7[%dma_start3A_30, %dma_start3A_31] : memref<40x128xi32, #tpu.memory_space<vmem>> -> memref<1x128xi32, #tpu.memory_space<vmem>>
    %dma_start3A_33 = tpu.memref_squeeze %dma_start3A_32 : memref<1x128xi32, #tpu.memory_space<vmem>> -> memref<128xi32, #tpu.memory_space<vmem>>
    %dma_start3A_34 = arith.constant 0 : i32
    %dma_start3A_35 = arith.constant 0 : i32
    %dma_start3A_36 = tpu.memref_slice %arg2[%dma_start3A_34, %dma_start3A_35] : memref<10240x128xf32, #tpu.memory_space<hbm>> -> memref<10240x128xf32, #tpu.memory_space<hbm>>
    tpu.enqueue_indirect_dma source(%dma_start3A_36 : memref<10240x128xf32, #tpu.memory_space<hbm>>) target(%arg9 : memref<128x128xf32, #tpu.memory_space<vmem>>) offsets(%dma_start3A_33 : memref<128xi32, #tpu.memory_space<vmem>>) semaphore(%arg12 : memref<!tpu.dma_semaphore, #tpu.memory_space<semaphore_mem>>)
    %dma_start3A_37 = arith.constant 1 : i32
    %dma_start3A_38 = arith.constant 0 : i32
    %dma_start3A_39 = tpu.memref_slice %arg7[%dma_start3A_37, %dma_start3A_38] : memref<40x128xi32, #tpu.memory_space<vmem>> -> memref<1x128xi32, #tpu.memory_space<vmem>>
    %dma_start3A_40 = tpu.memref_squeeze %dma_start3A_39 : memref<1x128xi32, #tpu.memory_space<vmem>> -> memref<128xi32, #tpu.memory_space<vmem>>
    %dma_start3A_41 = arith.constant 0 : i32
    %dma_start3A_42 = arith.constant 0 : i32
    %dma_start3A_43 = tpu.memref_slice %arg2[%dma_start3A_41, %dma_start3A_42] : memref<10240x128xf32, #tpu.memory_space<hbm>> -> memref<10240x128xf32, #tpu.memory_space<hbm>>
    tpu.enqueue_indirect_dma source(%dma_start3A_43 : memref<10240x128xf32, #tpu.memory_space<hbm>>) target(%arg10 : memref<128x128xf32, #tpu.memory_space<vmem>>) offsets(%dma_start3A_40 : memref<128xi32, #tpu.memory_space<vmem>>) semaphore(%arg13 : memref<!tpu.dma_semaphore, #tpu.memory_space<semaphore_mem>>)
    %scan3A_44 = arith.constant 0 : i32
    %scan3A_45 = arith.constant 20 : i32
    %scan3A_46 = arith.addi %scan3A_44, %scan3A_45 : i32
    %scan3A_47 = arith.constant 1 : i32
    scf.for %scan3A_57 = %scan3A_44 to %scan3A_46 step %scan3A_47  : i32 {
      %mul3A_58 = arith.constant 2 : i32
      %mul3A_59 = arith.muli %scan3A_57, %mul3A_58 : i32
      %add3A_60 = arith.constant 0 : i32
      %add3A_61 = arith.addi %add3A_60, %mul3A_59 : i32
      %add3A_62 = arith.constant 0 : i32
      %add3A_63 = arith.addi %add3A_61, %add3A_62 : i32
      %dma_wait3A = arith.constant 0 : i32
      %dma_wait3A_64 = tpu.memref_slice %arg7[%add3A_63, %dma_wait3A] : memref<40x128xi32, #tpu.memory_space<vmem>> -> memref<1x128xi32, #tpu.memory_space<vmem>>
      %dma_wait3A_65 = tpu.memref_squeeze %dma_wait3A_64 : memref<1x128xi32, #tpu.memory_space<vmem>> -> memref<128xi32, #tpu.memory_space<vmem>>
      %dma_wait3A_66 = arith.constant 0 : i32
      %dma_wait3A_67 = arith.constant 0 : i32
      %dma_wait3A_68 = tpu.memref_slice %arg2[%dma_wait3A_66, %dma_wait3A_67] : memref<10240x128xf32, #tpu.memory_space<hbm>> -> memref<10240x128xf32, #tpu.memory_space<hbm>>
      tpu.wait_indirect_dma semaphore(%arg12 : memref<!tpu.dma_semaphore, #tpu.memory_space<semaphore_mem>>) src(%dma_wait3A_68 : memref<10240x128xf32, #tpu.memory_space<hbm>>) dst(%arg9 : memref<128x128xf32, #tpu.memory_space<vmem>>)
      %add3A_69 = arith.constant 0 : i32
      %add3A_70 = arith.addi %add3A_61, %add3A_69 : i32
      "tpu.region"() ({
        %run_scoped3A = tpu.sem_alloc : memref<!tpu.dma_semaphore, #tpu.memory_space<semaphore_mem>>
        %dma_start3A_96 = arith.constant 0 : i32
        %dma_start3A_97 = tpu.memref_slice %arg8[%add3A_70, %dma_start3A_96] : memref<40x128xi32, #tpu.memory_space<vmem>> -> memref<1x128xi32, #tpu.memory_space<vmem>>
        %dma_start3A_98 = tpu.memref_squeeze %dma_start3A_97 : memref<1x128xi32, #tpu.memory_space<vmem>> -> memref<128xi32, #tpu.memory_space<vmem>>
        %dma_start3A_99 = arith.constant 0 : i32
        %dma_start3A_100 = arith.constant 0 : i32
        %dma_start3A_101 = tpu.memref_slice %arg11[%dma_start3A_99, %dma_start3A_100] : memref<10240x128xf32, #tpu.memory_space<vmem_shared>> -> memref<10240x128xf32, #tpu.memory_space<vmem_shared>>
        tpu.enqueue_indirect_dma source(%arg9 : memref<128x128xf32, #tpu.memory_space<vmem>>) target(%dma_start3A_101 : memref<10240x128xf32, #tpu.memory_space<vmem_shared>>) offsets(%dma_start3A_98 : memref<128xi32, #tpu.memory_space<vmem>>) semaphore(%run_scoped3A : memref<!tpu.dma_semaphore, #tpu.memory_space<semaphore_mem>>) {add = true}
        %dma_wait3A_102 = arith.constant 0 : i32
        %dma_wait3A_103 = tpu.memref_slice %arg8[%add3A_70, %dma_wait3A_102] : memref<40x128xi32, #tpu.memory_space<vmem>> -> memref<1x128xi32, #tpu.memory_space<vmem>>
        %dma_wait3A_104 = tpu.memref_squeeze %dma_wait3A_103 : memref<1x128xi32, #tpu.memory_space<vmem>> -> memref<128xi32, #tpu.memory_space<vmem>>
        %dma_wait3A_105 = arith.constant 0 : i32
        %dma_wait3A_106 = arith.constant 0 : i32
        %dma_wait3A_107 = tpu.memref_slice %arg11[%dma_wait3A_105, %dma_wait3A_106] : memref<10240x128xf32, #tpu.memory_space<vmem_shared>> -> memref<10240x128xf32, #tpu.memory_space<vmem_shared>>
        tpu.wait_indirect_dma semaphore(%run_scoped3A : memref<!tpu.dma_semaphore, #tpu.memory_space<semaphore_mem>>) src(%arg9 : memref<128x128xf32, #tpu.memory_space<vmem>>) dst(%dma_wait3A_107 : memref<10240x128xf32, #tpu.memory_space<vmem_shared>>)
        tpu.yield
      }) : () -> ()
      %add3A_71 = arith.constant 0 : i32
      %add3A_72 = arith.addi %add3A_61, %add3A_71 : i32
      %add3A_73 = arith.constant 2 : i32
      %add3A_74 = arith.addi %add3A_72, %add3A_73 : i32
      %lt3A = arith.constant 40 : i32
      %lt3A_75 = arith.cmpi slt, %add3A_74, %lt3A : i32
      %convert_element_type3A = arith.extui %lt3A_75 : i1 to i32
      %cond3A = arith.constant 0 : i32
      %cond3A_76 = arith.cmpi ne, %convert_element_type3A, %cond3A : i32
      scf.if %cond3A_76 {
        %add3A_96 = arith.constant 0 : i32
        %add3A_97 = arith.addi %add3A_61, %add3A_96 : i32
        %add3A_98 = arith.constant 2 : i32
        %add3A_99 = arith.addi %add3A_97, %add3A_98 : i32
        %dma_start3A_100 = arith.constant 0 : i32
        %dma_start3A_101 = tpu.memref_slice %arg7[%add3A_99, %dma_start3A_100] : memref<40x128xi32, #tpu.memory_space<vmem>> -> memref<1x128xi32, #tpu.memory_space<vmem>>
        %dma_start3A_102 = tpu.memref_squeeze %dma_start3A_101 : memref<1x128xi32, #tpu.memory_space<vmem>> -> memref<128xi32, #tpu.memory_space<vmem>>
        %dma_start3A_103 = arith.constant 0 : i32
        %dma_start3A_104 = arith.constant 0 : i32
        %dma_start3A_105 = tpu.memref_slice %arg2[%dma_start3A_103, %dma_start3A_104] : memref<10240x128xf32, #tpu.memory_space<hbm>> -> memref<10240x128xf32, #tpu.memory_space<hbm>>
        tpu.enqueue_indirect_dma source(%dma_start3A_105 : memref<10240x128xf32, #tpu.memory_space<hbm>>) target(%arg9 : memref<128x128xf32, #tpu.memory_space<vmem>>) offsets(%dma_start3A_102 : memref<128xi32, #tpu.memory_space<vmem>>) semaphore(%arg12 : memref<!tpu.dma_semaphore, #tpu.memory_space<semaphore_mem>>)
      } else {
      }
      %add3A_77 = arith.constant 1 : i32
      %add3A_78 = arith.addi %add3A_61, %add3A_77 : i32
      %dma_wait3A_79 = arith.constant 0 : i32
      %dma_wait3A_80 = tpu.memref_slice %arg7[%add3A_78, %dma_wait3A_79] : memref<40x128xi32, #tpu.memory_space<vmem>> -> memref<1x128xi32, #tpu.memory_space<vmem>>
      %dma_wait3A_81 = tpu.memref_squeeze %dma_wait3A_80 : memref<1x128xi32, #tpu.memory_space<vmem>> -> memref<128xi32, #tpu.memory_space<vmem>>
      %dma_wait3A_82 = arith.constant 0 : i32
      %dma_wait3A_83 = arith.constant 0 : i32
      %dma_wait3A_84 = tpu.memref_slice %arg2[%dma_wait3A_82, %dma_wait3A_83] : memref<10240x128xf32, #tpu.memory_space<hbm>> -> memref<10240x128xf32, #tpu.memory_space<hbm>>
      tpu.wait_indirect_dma semaphore(%arg13 : memref<!tpu.dma_semaphore, #tpu.memory_space<semaphore_mem>>) src(%dma_wait3A_84 : memref<10240x128xf32, #tpu.memory_space<hbm>>) dst(%arg10 : memref<128x128xf32, #tpu.memory_space<vmem>>)
      %add3A_85 = arith.constant 1 : i32
      %add3A_86 = arith.addi %add3A_61, %add3A_85 : i32
      "tpu.region"() ({
        %run_scoped3A = tpu.sem_alloc : memref<!tpu.dma_semaphore, #tpu.memory_space<semaphore_mem>>
        %dma_start3A_96 = arith.constant 0 : i32
        %dma_start3A_97 = tpu.memref_slice %arg8[%add3A_86, %dma_start3A_96] : memref<40x128xi32, #tpu.memory_space<vmem>> -> memref<1x128xi32, #tpu.memory_space<vmem>>
        %dma_start3A_98 = tpu.memref_squeeze %dma_start3A_97 : memref<1x128xi32, #tpu.memory_space<vmem>> -> memref<128xi32, #tpu.memory_space<vmem>>
        %dma_start3A_99 = arith.constant 0 : i32
        %dma_start3A_100 = arith.constant 0 : i32
        %dma_start3A_101 = tpu.memref_slice %arg11[%dma_start3A_99, %dma_start3A_100] : memref<10240x128xf32, #tpu.memory_space<vmem_shared>> -> memref<10240x128xf32, #tpu.memory_space<vmem_shared>>
        tpu.enqueue_indirect_dma source(%arg10 : memref<128x128xf32, #tpu.memory_space<vmem>>) target(%dma_start3A_101 : memref<10240x128xf32, #tpu.memory_space<vmem_shared>>) offsets(%dma_start3A_98 : memref<128xi32, #tpu.memory_space<vmem>>) semaphore(%run_scoped3A : memref<!tpu.dma_semaphore, #tpu.memory_space<semaphore_mem>>) {add = true}
        %dma_wait3A_102 = arith.constant 0 : i32
        %dma_wait3A_103 = tpu.memref_slice %arg8[%add3A_86, %dma_wait3A_102] : memref<40x128xi32, #tpu.memory_space<vmem>> -> memref<1x128xi32, #tpu.memory_space<vmem>>
        %dma_wait3A_104 = tpu.memref_squeeze %dma_wait3A_103 : memref<1x128xi32, #tpu.memory_space<vmem>> -> memref<128xi32, #tpu.memory_space<vmem>>
        %dma_wait3A_105 = arith.constant 0 : i32
        %dma_wait3A_106 = arith.constant 0 : i32
        %dma_wait3A_107 = tpu.memref_slice %arg11[%dma_wait3A_105, %dma_wait3A_106] : memref<10240x128xf32, #tpu.memory_space<vmem_shared>> -> memref<10240x128xf32, #tpu.memory_space<vmem_shared>>
        tpu.wait_indirect_dma semaphore(%run_scoped3A : memref<!tpu.dma_semaphore, #tpu.memory_space<semaphore_mem>>) src(%arg10 : memref<128x128xf32, #tpu.memory_space<vmem>>) dst(%dma_wait3A_107 : memref<10240x128xf32, #tpu.memory_space<vmem_shared>>)
        tpu.yield
      }) : () -> ()
      %add3A_87 = arith.constant 1 : i32
      %add3A_88 = arith.addi %add3A_61, %add3A_87 : i32
      %add3A_89 = arith.constant 2 : i32
      %add3A_90 = arith.addi %add3A_88, %add3A_89 : i32
      %lt3A_91 = arith.constant 40 : i32
      %lt3A_92 = arith.cmpi slt, %add3A_90, %lt3A_91 : i32
      %convert_element_type3A_93 = arith.extui %lt3A_92 : i1 to i32
      %cond3A_94 = arith.constant 0 : i32
      %cond3A_95 = arith.cmpi ne, %convert_element_type3A_93, %cond3A_94 : i32
      scf.if %cond3A_95 {
        %add3A_96 = arith.constant 1 : i32
        %add3A_97 = arith.addi %add3A_61, %add3A_96 : i32
        %add3A_98 = arith.constant 2 : i32
        %add3A_99 = arith.addi %add3A_97, %add3A_98 : i32
        %dma_start3A_100 = arith.constant 0 : i32
        %dma_start3A_101 = tpu.memref_slice %arg7[%add3A_99, %dma_start3A_100] : memref<40x128xi32, #tpu.memory_space<vmem>> -> memref<1x128xi32, #tpu.memory_space<vmem>>
        %dma_start3A_102 = tpu.memref_squeeze %dma_start3A_101 : memref<1x128xi32, #tpu.memory_space<vmem>> -> memref<128xi32, #tpu.memory_space<vmem>>
        %dma_start3A_103 = arith.constant 0 : i32
        %dma_start3A_104 = arith.constant 0 : i32
        %dma_start3A_105 = tpu.memref_slice %arg2[%dma_start3A_103, %dma_start3A_104] : memref<10240x128xf32, #tpu.memory_space<hbm>> -> memref<10240x128xf32, #tpu.memory_space<hbm>>
        tpu.enqueue_indirect_dma source(%dma_start3A_105 : memref<10240x128xf32, #tpu.memory_space<hbm>>) target(%arg10 : memref<128x128xf32, #tpu.memory_space<vmem>>) offsets(%dma_start3A_102 : memref<128xi32, #tpu.memory_space<vmem>>) semaphore(%arg13 : memref<!tpu.dma_semaphore, #tpu.memory_space<semaphore_mem>>)
      } else {
      }
    }
    %scan3A_48 = arith.constant 20 : i32
    %barrier3A_49 = arith.constant 0 : index
    tpu.barrier barrier_id(%barrier3A_49)
    %mul3A_50 = arith.constant 640 : i32
    %mul3A_51 = arith.muli %arg1, %mul3A_50 : i32
    %mul3A_52 = arith.constant 10240 : i32
    %mul3A_53 = arith.muli %arg0, %mul3A_52 : i32
    %mul3A_54 = arith.constant 640 : i32
    %mul3A_55 = arith.muli %arg1, %mul3A_54 : i32
    %add3A_56 = arith.addi %mul3A_53, %mul3A_55 : i32
    "tpu.region"() ({
      %run_scoped3A = tpu.sem_alloc : memref<!tpu.dma_semaphore, #tpu.memory_space<semaphore_mem>>
      %dma_start3A_57 = arith.constant 0 : i32
      %dma_start3A_58 = tpu.memref_slice %arg6[%add3A_56, %dma_start3A_57] : memref<20480x128xf32, #tpu.memory_space<hbm>> -> memref<640x128xf32, #tpu.memory_space<hbm>>
      %dma_start3A_59 = arith.constant 0 : i32
      %dma_start3A_60 = tpu.memref_slice %arg11[%mul3A_51, %dma_start3A_59] : memref<10240x128xf32, #tpu.memory_space<vmem_shared>> -> memref<640x128xf32, #tpu.memory_space<vmem_shared>>
      tpu.enqueue_dma source(%dma_start3A_60 : memref<640x128xf32, #tpu.memory_space<vmem_shared>>) target(%dma_start3A_58 : memref<640x128xf32, #tpu.memory_space<hbm>>) target_semaphore(%run_scoped3A : memref<!tpu.dma_semaphore, #tpu.memory_space<semaphore_mem>>)
      %dma_wait3A = arith.constant 0 : i32
      %dma_wait3A_61 = tpu.memref_slice %arg6[%add3A_56, %dma_wait3A] : memref<20480x128xf32, #tpu.memory_space<hbm>> -> memref<640x128xf32, #tpu.memory_space<hbm>>
      %dma_wait3A_62 = arith.constant 0 : i32
      %dma_wait3A_63 = tpu.memref_slice %arg11[%mul3A_51, %dma_wait3A_62] : memref<10240x128xf32, #tpu.memory_space<vmem_shared>> -> memref<640x128xf32, #tpu.memory_space<vmem_shared>>
      tpu.wait_dma2 semaphore(%run_scoped3A : memref<!tpu.dma_semaphore, #tpu.memory_space<semaphore_mem>>) src(%dma_wait3A_63 : memref<640x128xf32, #tpu.memory_space<vmem_shared>>) dst(%dma_wait3A_61 : memref<640x128xf32, #tpu.memory_space<hbm>>)
      tpu.yield
    }) : () -> ()
    return
  }
}

module attributes {stable_mosaic.version = 14 : i64} {
  func.func @body(%arg0: i32, %arg1: memref<512x128xf32, #tpu.memory_space<vmem>>, %arg2: memref<128x128xf32, #tpu.memory_space<vmem>>, %arg3: memref<512x128xf32, #tpu.memory_space<vmem>>) attributes {dimension_semantics = [#tpu.dimension_semantics<arbitrary>], iteration_bounds = array<i64: 20>, scalar_prefetch = 0 : i64, scratch_operands = 0 : i64, tpu.core_type = #tpu.core_type<tc>, window_params = [{transform_indices = @transform_0, window_bounds = array<i64: 512, 128>}, {pipeline_mode = #tpu.pipeline_mode<synchronous>, transform_indices = @transform_1, window_bounds = array<i64: 128, 128>}, {transform_indices = @transform_2, window_bounds = array<i64: 512, 128>}]} {
    %get3A = arith.constant 0 : index
    %get3A_0 = arith.constant 0 : index
    %get3A_1 = vector.load %arg1[%get3A, %get3A_0] : memref<512x128xf32, #tpu.memory_space<vmem>>, vector<512x128xf32>
    %get3A_2 = arith.constant 0 : index
    %get3A_3 = arith.constant 0 : index
    %get3A_4 = vector.load %arg2[%get3A_2, %get3A_3] : memref<128x128xf32, #tpu.memory_space<vmem>>, vector<128x128xf32>
    %dot_general3A = arith.constant dense<0.000000e+00> : vector<512x128xf32>
    %dot_general3A_5 = tpu.matmul %get3A_1, %get3A_4, %dot_general3A {dimension_numbers = #tpu.dot_dimension_numbers<[1], [0], [0], [1], [0, 0, 1, 1], [], []>, transpose_lhs_hint = false} : vector<512x128xf32>, vector<128x128xf32>, vector<512x128xf32> -> vector<512x128xf32>
    %swap3A = arith.constant 0 : index
    %swap3A_6 = arith.constant 0 : index
    %swap3A_7 = vector.load %arg3[%swap3A, %swap3A_6] : memref<512x128xf32, #tpu.memory_space<vmem>>, vector<512x128xf32>
    tpu.vector_store %arg3[%swap3A, %swap3A_6], %dot_general3A_5 {strides = array<i32>} : memref<512x128xf32, #tpu.memory_space<vmem>>, vector<512x128xf32>,
    return
  }
  func.func @transform_0(%arg0: i32) -> (i32, i32) {
    %c0_i32 = arith.constant 0 : i32
    %c0_i32_0 = arith.constant 0 : i32
    return %arg0, %c0_i32 : i32, i32
  }
  func.func @transform_1(%arg0: i32) -> (i32, i32) {
    %c0_i32 = arith.constant 0 : i32
    %c0_i32_0 = arith.constant 0 : i32
    %c0_i32_1 = arith.constant 0 : i32
    return %c0_i32, %c0_i32_0 : i32, i32
  }
  func.func @transform_2(%arg0: i32) -> (i32, i32) {
    %c0_i32 = arith.constant 0 : i32
    %c0_i32_0 = arith.constant 0 : i32
    return %arg0, %c0_i32 : i32, i32
  }
}

module attributes {stable_mosaic.version = 14 : i64} {
  func.func @body(%arg0: i32, %arg1: memref<512x128xf32, #tpu.memory_space<vmem>>, %arg2: memref<2x512x128xf32, #tpu.memory_space<vmem>>, %arg3: memref<512x128xf32, #tpu.memory_space<vmem>>, %arg4: memref<512x1xf32, #tpu.memory_space<vmem>>) attributes {dimension_semantics = [#tpu.dimension_semantics<arbitrary>], iteration_bounds = array<i64: 20>, scalar_prefetch = 0 : i64, scratch_operands = 0 : i64, tpu.core_type = #tpu.core_type<tc>, window_params = [{transform_indices = @transform_0, window_bounds = array<i64: 512, 128>}, {transform_indices = @transform_1, window_bounds = array<i64: 2, 512, 128>}, {transform_indices = @transform_2, window_bounds = array<i64: 512, 128>}, {transform_indices = @transform_3, window_bounds = array<i64: 512, 1>}]} {
    %get3A = arith.constant 0 : index
    %get3A_0 = arith.constant 0 : index
    %get3A_1 = arith.constant 0 : index
    %get3A_2 = vector.load %arg2[%get3A, %get3A_0, %get3A_1] : memref<2x512x128xf32, #tpu.memory_space<vmem>>, vector<1x512x1xf32>
    %get3A_3 = vector.shape_cast %get3A_2 : vector<1x512x1xf32> to vector<512x1xf32>
    %get3A_4 = arith.constant 1 : index
    %get3A_5 = arith.constant 0 : index
    %get3A_6 = arith.constant 0 : index
    %get3A_7 = vector.load %arg2[%get3A_4, %get3A_5, %get3A_6] : memref<2x512x128xf32, #tpu.memory_space<vmem>>, vector<1x512x1xf32>
    %get3A_8 = vector.shape_cast %get3A_7 : vector<1x512x1xf32> to vector<512x1xf32>
    %add3A = arith.addf %get3A_3, %get3A_8 : vector<512x1xf32>
    %add3A_9 = arith.constant 1.000000e+00 : f32
    %add3A_10 = vector.broadcast %add3A_9 : f32 to vector<512x1xf32>
    %add3A_11 = arith.addf %add3A, %add3A_10 : vector<512x1xf32>
    %rsqrt3A = math.rsqrt %add3A_11 : vector<512x1xf32>
    %get3A_12 = arith.constant 0 : index
    %get3A_13 = arith.constant 0 : index
    %get3A_14 = vector.load %arg1[%get3A_12, %get3A_13] : memref<512x128xf32, #tpu.memory_space<vmem>>, vector<512x128xf32>
    %mul3A = vector.broadcast %rsqrt3A : vector<512x1xf32> to vector<512x128xf32>
    %mul3A_15 = arith.mulf %get3A_14, %mul3A : vector<512x128xf32>
    %swap3A = arith.constant 0 : index
    %swap3A_16 = arith.constant 0 : index
    %swap3A_17 = vector.load %arg3[%swap3A, %swap3A_16] : memref<512x128xf32, #tpu.memory_space<vmem>>, vector<512x128xf32>
    tpu.vector_store %arg3[%swap3A, %swap3A_16], %mul3A_15 {strides = array<i32>} : memref<512x128xf32, #tpu.memory_space<vmem>>, vector<512x128xf32>,
    %swap3A_18 = arith.constant 0 : index
    %swap3A_19 = arith.constant 0 : index
    %swap3A_20 = vector.load %arg4[%swap3A_18, %swap3A_19] : memref<512x1xf32, #tpu.memory_space<vmem>>, vector<512x1xf32>
    tpu.vector_store %arg4[%swap3A_18, %swap3A_19], %rsqrt3A {strides = array<i32>} : memref<512x1xf32, #tpu.memory_space<vmem>>, vector<512x1xf32>,
    return
  }
  func.func @transform_0(%arg0: i32) -> (i32, i32) {
    %c0_i32 = arith.constant 0 : i32
    %c0_i32_0 = arith.constant 0 : i32
    return %arg0, %c0_i32 : i32, i32
  }
  func.func @transform_1(%arg0: i32) -> (i32, i32, i32) {
    %c0_i32 = arith.constant 0 : i32
    %c0_i32_0 = arith.constant 0 : i32
    %c0_i32_1 = arith.constant 0 : i32
    return %c0_i32, %arg0, %c0_i32_0 : i32, i32, i32
  }
  func.func @transform_2(%arg0: i32) -> (i32, i32) {
    %c0_i32 = arith.constant 0 : i32
    %c0_i32_0 = arith.constant 0 : i32
    return %arg0, %c0_i32 : i32, i32
  }
  func.func @transform_3(%arg0: i32) -> (i32, i32) {
    %c0_i32 = arith.constant 0 : i32
    %c0_i32_0 = arith.constant 0 : i32
    return %arg0, %c0_i32 : i32, i32
  }
}

module attributes {stable_mosaic.version = 14 : i64} {
  func.func @body(%arg0: i32, %arg1: memref<2x512x128xf32, #tpu.memory_space<vmem>>, %arg2: memref<512x128xf32, #tpu.memory_space<vmem>>, %arg3: memref<1x128xf32, #tpu.memory_space<vmem>>, %arg4: memref<128x128xf32, #tpu.memory_space<vmem>>, %arg5: memref<512x1xf32, #tpu.memory_space<vmem>>, %arg6: memref<512x128xf32, #tpu.memory_space<vmem>>, %arg7: memref<512x128xf32, #tpu.memory_space<vmem>>) attributes {dimension_semantics = [#tpu.dimension_semantics<arbitrary>], iteration_bounds = array<i64: 20>, scalar_prefetch = 0 : i64, scratch_operands = 0 : i64, tpu.core_type = #tpu.core_type<tc>, window_params = [{transform_indices = @transform_0, window_bounds = array<i64: 2, 512, 128>}, {transform_indices = @transform_1, window_bounds = array<i64: 512, 128>}, {pipeline_mode = #tpu.pipeline_mode<synchronous>, transform_indices = @transform_2, window_bounds = array<i64: 1, 128>}, {pipeline_mode = #tpu.pipeline_mode<synchronous>, transform_indices = @transform_3, window_bounds = array<i64: 128, 128>}, {transform_indices = @transform_4, window_bounds = array<i64: 512, 1>}, {transform_indices = @transform_5, window_bounds = array<i64: 512, 128>}, {transform_indices = @transform_6, window_bounds = array<i64: 512, 128>}]} {
    %get3A = arith.constant 0 : index
    %get3A_0 = arith.constant 0 : index
    %get3A_1 = vector.load %arg5[%get3A, %get3A_0] : memref<512x1xf32, #tpu.memory_space<vmem>>, vector<512x1xf32>
    %get3A_2 = arith.constant 0 : index
    %get3A_3 = arith.constant 0 : index
    %get3A_4 = arith.constant 0 : index
    %get3A_5 = vector.load %arg1[%get3A_2, %get3A_3, %get3A_4] : memref<2x512x128xf32, #tpu.memory_space<vmem>>, vector<1x512x128xf32>
    %get3A_6 = vector.shape_cast %get3A_5 : vector<1x512x128xf32> to vector<512x128xf32>
    %get3A_7 = arith.constant 1 : index
    %get3A_8 = arith.constant 0 : index
    %get3A_9 = arith.constant 0 : index
    %get3A_10 = vector.load %arg1[%get3A_7, %get3A_8, %get3A_9] : memref<2x512x128xf32, #tpu.memory_space<vmem>>, vector<1x512x128xf32>
    %get3A_11 = vector.shape_cast %get3A_10 : vector<1x512x128xf32> to vector<512x128xf32>
    %add3A = arith.addf %get3A_6, %get3A_11 : vector<512x128xf32>
    %mul3A = vector.broadcast %get3A_1 : vector<512x1xf32> to vector<512x128xf32>
    %mul3A_12 = arith.mulf %mul3A, %add3A : vector<512x128xf32>
    %mul3A_13 = arith.mulf %get3A_1, %get3A_1 : vector<512x1xf32>
    %get3A_14 = arith.constant 0 : index
    %get3A_15 = arith.constant 0 : index
    %get3A_16 = vector.load %arg2[%get3A_14, %get3A_15] : memref<512x128xf32, #tpu.memory_space<vmem>>, vector<512x128xf32>
    %mul3A_17 = vector.broadcast %mul3A_13 : vector<512x1xf32> to vector<512x128xf32>
    %mul3A_18 = arith.mulf %mul3A_17, %get3A_16 : vector<512x128xf32>
    %add3A_19 = arith.addf %mul3A_12, %mul3A_18 : vector<512x128xf32>
    %get3A_20 = arith.constant 0 : index
    %get3A_21 = arith.constant 0 : index
    %get3A_22 = vector.load %arg3[%get3A_20, %get3A_21] : memref<1x128xf32, #tpu.memory_space<vmem>>, vector<1x128xf32>
    %add3A_23 = vector.broadcast %get3A_22 : vector<1x128xf32> to vector<512x128xf32>
    %add3A_24 = arith.addf %add3A_19, %add3A_23 : vector<512x128xf32>
    %max3A = arith.constant 0.000000e+00 : f32
    %max3A_25 = vector.broadcast %max3A : f32 to vector<512x128xf32>
    %max3A_26 = arith.maximumf %add3A_24, %max3A_25 : vector<512x128xf32>
    %get3A_27 = arith.constant 0 : index
    %get3A_28 = arith.constant 0 : index
    %get3A_29 = vector.load %arg4[%get3A_27, %get3A_28] : memref<128x128xf32, #tpu.memory_space<vmem>>, vector<128x128xf32>
    %dot_general3A = arith.constant dense<0.000000e+00> : vector<512x128xf32>
    %dot_general3A_30 = tpu.matmul %max3A_26, %get3A_29, %dot_general3A {dimension_numbers = #tpu.dot_dimension_numbers<[1], [0], [0], [1], [0, 0, 1, 1], [], []>, transpose_lhs_hint = false} : vector<512x128xf32>, vector<128x128xf32>, vector<512x128xf32> -> vector<512x128xf32>
    %swap3A = arith.constant 0 : index
    %swap3A_31 = arith.constant 0 : index
    %swap3A_32 = vector.load %arg7[%swap3A, %swap3A_31] : memref<512x128xf32, #tpu.memory_space<vmem>>, vector<512x128xf32>
    tpu.vector_store %arg7[%swap3A, %swap3A_31], %dot_general3A_30 {strides = array<i32>} : memref<512x128xf32, #tpu.memory_space<vmem>>, vector<512x128xf32>,
    %mul3A_33 = vector.broadcast %get3A_1 : vector<512x1xf32> to vector<512x128xf32>
    %mul3A_34 = arith.mulf %dot_general3A_30, %mul3A_33 : vector<512x128xf32>
    %swap3A_35 = arith.constant 0 : index
    %swap3A_36 = arith.constant 0 : index
    %swap3A_37 = vector.load %arg6[%swap3A_35, %swap3A_36] : memref<512x128xf32, #tpu.memory_space<vmem>>, vector<512x128xf32>
    tpu.vector_store %arg6[%swap3A_35, %swap3A_36], %mul3A_34 {strides = array<i32>} : memref<512x128xf32, #tpu.memory_space<vmem>>, vector<512x128xf32>,
    return
  }
  func.func @transform_0(%arg0: i32) -> (i32, i32, i32) {
    %c0_i32 = arith.constant 0 : i32
    %c0_i32_0 = arith.constant 0 : i32
    %c0_i32_1 = arith.constant 0 : i32
    return %c0_i32, %arg0, %c0_i32_0 : i32, i32, i32
  }
  func.func @transform_1(%arg0: i32) -> (i32, i32) {
    %c0_i32 = arith.constant 0 : i32
    %c0_i32_0 = arith.constant 0 : i32
    return %arg0, %c0_i32 : i32, i32
  }
  func.func @transform_2(%arg0: i32) -> (i32, i32) {
    %c0_i32 = arith.constant 0 : i32
    %c0_i32_0 = arith.constant 0 : i32
    %c0_i32_1 = arith.constant 0 : i32
    return %c0_i32, %c0_i32_0 : i32, i32
  }
  func.func @transform_3(%arg0: i32) -> (i32, i32) {
    %c0_i32 = arith.constant 0 : i32
    %c0_i32_0 = arith.constant 0 : i32
    %c0_i32_1 = arith.constant 0 : i32
    return %c0_i32, %c0_i32_0 : i32, i32
  }
  func.func @transform_4(%arg0: i32) -> (i32, i32) {
    %c0_i32 = arith.constant 0 : i32
    %c0_i32_0 = arith.constant 0 : i32
    return %arg0, %c0_i32 : i32, i32
  }
  func.func @transform_5(%arg0: i32) -> (i32, i32) {
    %c0_i32 = arith.constant 0 : i32
    %c0_i32_0 = arith.constant 0 : i32
    return %arg0, %c0_i32 : i32, i32
  }
  func.func @transform_6(%arg0: i32) -> (i32, i32) {
    %c0_i32 = arith.constant 0 : i32
    %c0_i32_0 = arith.constant 0 : i32
    return %arg0, %c0_i32 : i32, i32
  }
}

module attributes {stable_mosaic.version = 14 : i64} {
  func.func @body(%arg0: i32, %arg1: memref<2x400x128xf32, #tpu.memory_space<vmem>>, %arg2: memref<400x128xf32, #tpu.memory_space<vmem>>, %arg3: memref<1x128xf32, #tpu.memory_space<vmem>>, %arg4: memref<400x1xf32, #tpu.memory_space<vmem>>, %arg5: memref<400x128xf32, #tpu.memory_space<vmem>>) attributes {dimension_semantics = [#tpu.dimension_semantics<arbitrary>], iteration_bounds = array<i64: 25>, scalar_prefetch = 0 : i64, scratch_operands = 0 : i64, tpu.core_type = #tpu.core_type<tc>, window_params = [{transform_indices = @transform_0, window_bounds = array<i64: 2, 400, 128>}, {transform_indices = @transform_1, window_bounds = array<i64: 400, 128>}, {pipeline_mode = #tpu.pipeline_mode<synchronous>, transform_indices = @transform_2, window_bounds = array<i64: 1, 128>}, {transform_indices = @transform_3, window_bounds = array<i64: 400, 1>}, {transform_indices = @transform_4, window_bounds = array<i64: 400, 128>}]} {
    %get3A = arith.constant 0 : index
    %get3A_0 = arith.constant 0 : index
    %get3A_1 = vector.load %arg4[%get3A, %get3A_0] : memref<400x1xf32, #tpu.memory_space<vmem>>, vector<400x1xf32>
    %get3A_2 = arith.constant 0 : index
    %get3A_3 = arith.constant 0 : index
    %get3A_4 = arith.constant 0 : index
    %get3A_5 = vector.load %arg1[%get3A_2, %get3A_3, %get3A_4] : memref<2x400x128xf32, #tpu.memory_space<vmem>>, vector<1x400x128xf32>
    %get3A_6 = vector.shape_cast %get3A_5 : vector<1x400x128xf32> to vector<400x128xf32>
    %get3A_7 = arith.constant 1 : index
    %get3A_8 = arith.constant 0 : index
    %get3A_9 = arith.constant 0 : index
    %get3A_10 = vector.load %arg1[%get3A_7, %get3A_8, %get3A_9] : memref<2x400x128xf32, #tpu.memory_space<vmem>>, vector<1x400x128xf32>
    %get3A_11 = vector.shape_cast %get3A_10 : vector<1x400x128xf32> to vector<400x128xf32>
    %add3A = arith.addf %get3A_6, %get3A_11 : vector<400x128xf32>
    %mul3A = vector.broadcast %get3A_1 : vector<400x1xf32> to vector<400x128xf32>
    %mul3A_12 = arith.mulf %mul3A, %add3A : vector<400x128xf32>
    %mul3A_13 = arith.mulf %get3A_1, %get3A_1 : vector<400x1xf32>
    %get3A_14 = arith.constant 0 : index
    %get3A_15 = arith.constant 0 : index
    %get3A_16 = vector.load %arg2[%get3A_14, %get3A_15] : memref<400x128xf32, #tpu.memory_space<vmem>>, vector<400x128xf32>
    %mul3A_17 = vector.broadcast %mul3A_13 : vector<400x1xf32> to vector<400x128xf32>
    %mul3A_18 = arith.mulf %mul3A_17, %get3A_16 : vector<400x128xf32>
    %add3A_19 = arith.addf %mul3A_12, %mul3A_18 : vector<400x128xf32>
    %get3A_20 = arith.constant 0 : index
    %get3A_21 = arith.constant 0 : index
    %get3A_22 = vector.load %arg3[%get3A_20, %get3A_21] : memref<1x128xf32, #tpu.memory_space<vmem>>, vector<1x128xf32>
    %add3A_23 = vector.broadcast %get3A_22 : vector<1x128xf32> to vector<400x128xf32>
    %add3A_24 = arith.addf %add3A_19, %add3A_23 : vector<400x128xf32>
    %swap3A = arith.constant 0 : index
    %swap3A_25 = arith.constant 0 : index
    %swap3A_26 = vector.load %arg5[%swap3A, %swap3A_25] : memref<400x128xf32, #tpu.memory_space<vmem>>, vector<400x128xf32>
    tpu.vector_store %arg5[%swap3A, %swap3A_25], %add3A_24 {strides = array<i32>} : memref<400x128xf32, #tpu.memory_space<vmem>>, vector<400x128xf32>,
    return
  }
  func.func @transform_0(%arg0: i32) -> (i32, i32, i32) {
    %c0_i32 = arith.constant 0 : i32
    %c0_i32_0 = arith.constant 0 : i32
    %c0_i32_1 = arith.constant 0 : i32
    return %c0_i32, %arg0, %c0_i32_0 : i32, i32, i32
  }
  func.func @transform_1(%arg0: i32) -> (i32, i32) {
    %c0_i32 = arith.constant 0 : i32
    %c0_i32_0 = arith.constant 0 : i32
    return %arg0, %c0_i32 : i32, i32
  }
  func.func @transform_2(%arg0: i32) -> (i32, i32) {
    %c0_i32 = arith.constant 0 : i32
    %c0_i32_0 = arith.constant 0 : i32
    %c0_i32_1 = arith.constant 0 : i32
    return %c0_i32, %c0_i32_0 : i32, i32
  }
  func.func @transform_3(%arg0: i32) -> (i32, i32) {
    %c0_i32 = arith.constant 0 : i32
    %c0_i32_0 = arith.constant 0 : i32
    return %arg0, %c0_i32 : i32, i32
  }
  func.func @transform_4(%arg0: i32) -> (i32, i32) {
    %c0_i32 = arith.constant 0 : i32
    %c0_i32_0 = arith.constant 0 : i32
    return %arg0, %c0_i32 : i32, i32
  }
}

</mosaic_0001>

<sc_bundles>
// kernel: kernel.12.cloned.1.call-start
scs
__scs_entry_jumppad:
0x0: {  	(pc) =	sbr.rel $0x88, $3  }
0x1: {  	(tag) =	ssettag $0x0;
	lr =	simm.s32 $0x1  }
0x2: {  	[smem:$0x3F9B] =	sst lr;
	_ =	strace $0xD0000000  }
0x3: {  	_ = 	snop  }
0x4: {  	_ = 	snop  }
0x5: {  	_ = 	snop  }
0x6: {  	_ = 	snop  }
0x7: {  	_ = 	snop  }
__scs_overlays_trampoline_lowered:
0x8: {  	[smem:$0x3FAA] =	sst s0  }
0x9: {  	[smem:$0x3FAB] =	sst s1  }
0xa: {  	[smem:$0x3FAC] =	sst s2  }
0xb: {  	[smem:$0x3FAD] =	sst s3  }
0xc: {  	[smem:$0x3FAE] =	sst s4  }
0xd: {  	[smem:$0x3FAF] =	sst s5  }
0xe: {  	[smem:$0x3FB0] =	sst s6  }
0xf: {  	[smem:$0x3FB1] =	sst s7  }
0x10: {  	[smem:$0x3FB2] =	sst s8  }
0x11: {  	[smem:$0x3FB3] =	sst s9;
	s0 =	simm.s32 @!p0 $0x0  }
0x12: {  	s1 =	sld [smem:$0x3F99];
	s0 =	simm.s32 @p0 $0x1  }
0x13: {  	[smem:$0x3FB4] =	sst s0;
	s0 =	simm.s32 @!p1 $0x0  }
0x14: {  	s2 =	sld [smem:$0x3F98];
	s0 =	simm.s32 @p1 $0x1  }
0x15: {  	[smem:$0x3FB5] =	sst s0;
	s0 =	simm.s32 @!p2 $0x0  }
0x16: {  	s3 =	sld [smem:$0x3FDB];
	s0 =	simm.s32 @p2 $0x1  }
0x17: {  	s4 =	simm.s32 $0x1BF5;
	[smem:$0x3FB7] =	sst s0  }
0x18: {  	s0 =	sld [smem:$0x3F9A];
	_ =	swait.ge [sflag:s4], $0x0  }
0x19: {  	s7 =	sld [smem:$0x3F9B]  }
0x1a: {  	s8 =	sadd.s32 $0xFFFFE003, lr  }
0x1b: {  	s9 =	sadd.s32 $0xFFFFFEF7, lr;
	s5 =	simm.s32 $0xFFFFFFFF;
	p2 =	slt.u32 s8, $0xFFFFF086  }
0x1c: {  	p1 =	slt.u32 s9, $0xF7A;
	s5 =	simm.s32 @!p2 $0x0  }
0x1d: {  	s5 =	simm.s32 @p1 $0x1;
	p0 =	seq.s32 s7, s2  }
0x1e: {  	s7 =	smul.u32 @!p0 $0xF7A, s2;
	p2 =	seq.s32 @!p0 s5, $0x0  }
0x1f: {  	s9 =	smul.u32 $0xF7A, s1;
	s8 =	simm.s32 @!p0 $0x1BF5;
	p2 =	por !p2, p0  }
0x20: {  	[sflag:s8] =	ssyncset.s32 @!p0 $0xFFFFF086;
	s6 =	sadd.s32 @!p0 s3, s7;
	s7 =	simm.s32 @!p0 $0x108  }
0x21: {  	s3 =	sadd.s32 s3, s9;
	s6 =	sadd.s32 @!p0 $0x88, s6;
	s7 =	simm.s32 @p2 $0x1082  }
0x22: {  	[simem:s7], [sflag:s8] =	dma.local @!p0 [hbm:s6], $0xF7A  }
0x23: {  	s9 =	sor.u32 $0xD0000000, s2;
	s6 =	simm.s32 $0x108;
	_ =	swait.ge @!p0 [sflag:s8], $0x0  }
0x24: {  	s3 =	sadd.s32 $0x88, s3;
	s6 =	simm.s32 @!p1 $0x1082;
	[sflag:s4] =	ssyncset.s32 $0xFFFFF086  }
0x25: {  	[simem:s6], [sflag:s4] =	dma.local [hbm:s3], $0xF7A  }
0x26: {  	[smem:$0x3F9B] =	sst s1;
	(tag) =	ssettag s2;
	_ =	strace s9  }
0x27: {  	s1 =	sld [smem:$0x3FAB]  }
0x28: {  	s2 =	sld [smem:$0x3FAC]  }
0x29: {  	s4 =	sld [smem:$0x3FAE]  }
0x2a: {  	p0 =	seq.s32 s5, $0x0;
	s5 =	sld [smem:$0x3FAF]  }
0x2b: {  	s6 =	sld [smem:$0x3FB0]  }
0x2c: {  	s7 =	sld [smem:$0x3FB1]  }
0x2d: {  	s3 =	simm.s32 $0x108;
	s8 =	sld [smem:$0x3FB2]  }
0x2e: {  	s3 =	simm.s32 @!p0 $0x1082;
	s9 =	sld [smem:$0x3FB3]  }
0x2f: {  	lr =	sadd.s32 s0, s3;
	s0 =	sld [smem:$0x3FAA]  }
0x30: {  	s3 =	sld [smem:$0x3FAD]  }
0x31: {  	[smem:$0x3FB6] =	sst s10  }
0x32: {  	s10 =	sld [smem:$0x3FB4];
	_ =	sdelay $0x3  }
0x33: {  	p0 =	seq.s32 s10, $0x1;
	s10 =	sld [smem:$0x3FB6];
	_ =	sdelay $0x3  }
0x34: {  	[smem:$0x3FB6] =	sst s10  }
0x35: {  	s10 =	sld [smem:$0x3FB5];
	_ =	sdelay $0x3  }
0x36: {  	p1 =	seq.s32 s10, $0x1;
	s10 =	sld [smem:$0x3FB6];
	_ =	sdelay $0x3  }
0x37: {  	[smem:$0x3FB6] =	sst s10  }
0x38: {  	s10 =	sld [smem:$0x3FB7]  }
0x39: {  	_ = 	snop;
	(pc) =	sbr.ind lr, $3  }
0x3a: {  	_ = 	snop  }
0x3b: {  	_ = 	snop  }
0x3c: {  	p2 =	seq.s32 s10, $0x1;
	s10 =	sld [smem:$0x3FB6]  }
0x3d: {  	_ =	shalt  }
0x3e: {  	_ =	shalt  }
0x3f: {  	_ =	shalt  }
0x40: {  	_ =	shalt  }
0x41: {  	_ =	shalt  }
0x42: {  	_ =	shalt  }
0x43: {  	_ =	shalt  }
0x44: {  	_ =	shalt  }
0x45: {  	_ =	shalt  }
0x46: {  	_ =	shalt  }
0x47: {  	_ =	shalt  }
0x48: {  	_ =	shalt  }
0x49: {  	_ =	shalt  }
0x4a: {  	_ =	shalt  }
0x4b: {  	_ =	shalt  }
0x4c: {  	_ =	shalt  }
0x4d: {  	_ =	shalt  }
0x4e: {  	_ =	shalt  }
0x4f: {  	_ =	shalt  }
0x50: {  	_ =	shalt  }
0x51: {  	_ =	shalt  }
0x52: {  	_ =	shalt  }
0x53: {  	_ =	shalt  }
0x54: {  	_ =	shalt  }
0x55: {  	_ =	shalt  }
0x56: {  	_ =	shalt  }
0x57: {  	_ =	shalt  }
0x58: {  	_ =	shalt  }
0x59: {  	_ =	shalt  }
0x5a: {  	_ =	shalt  }
0x5b: {  	_ =	shalt  }
0x5c: {  	_ =	shalt  }
0x5d: {  	_ =	shalt  }
0x5e: {  	_ =	shalt  }
0x5f: {  	_ =	shalt  }
0x60: {  	_ =	shalt  }
0x61: {  	_ =	shalt  }
0x62: {  	_ =	shalt  }
0x63: {  	_ =	shalt  }
0x64: {  	_ =	shalt  }
0x65: {  	_ =	shalt  }
0x66: {  	_ =	shalt  }
0x67: {  	_ =	shalt  }
0x68: {  	_ =	shalt  }
0x69: {  	_ =	shalt  }
0x6a: {  	_ =	shalt  }
0x6b: {  	_ =	shalt  }
0x6c: {  	_ =	shalt  }
0x6d: {  	_ =	shalt  }
0x6e: {  	_ =	shalt  }
0x6f: {  	_ =	shalt  }
0x70: {  	_ =	shalt  }
0x71: {  	_ =	shalt  }
0x72: {  	_ =	shalt  }
0x73: {  	_ =	shalt  }
0x74: {  	_ =	shalt  }
0x75: {  	_ =	shalt  }
0x76: {  	_ =	shalt  }
0x77: {  	_ =	shalt  }
0x78: {  	_ =	shalt  }
0x79: {  	_ =	shalt  }
0x7a: {  	_ =	shalt  }
0x7b: {  	_ =	shalt  }
0x7c: {  	_ =	shalt  }
0x7d: {  	_ =	shalt  }
0x7e: {  	_ =	shalt  }
0x7f: {  	_ =	shalt  }
0x80: {  	_ =	shalt  }
0x81: {  	_ =	shalt  }
0x82: {  	_ =	shalt  }
0x83: {  	_ =	shalt  }
0x84: {  	_ =	shalt  }
0x85: {  	_ =	shalt  }
0x86: {  	_ =	shalt  }
0x87: {  	_ =	shalt  }
.Lfunc_end0:
.L_simem_size_0:
called_computation.1_lowered:
.L_overlay_start_0:
0x88: {  	s2 =	sld [smem:$0x3FD9]  }
0x89: {  	s3 =	sld [smem:$0x3FFE];
	_ =	sdelay $0x1  }
0x8a: {  	s1 =	srdreg.scid  }
0x8b: {  	s0 =	sand.u32 $0x1, s1  }
0x8c: {  	s17 =	sshll.u32 s0, $0xA;
	s2 =	sadd.s32 s3, s2  }
0x8d: {  	s2 =	sadd.s32 s2, s17  }
0x8e: {  	[smem:$0x3FC2] =	sst s2  }
0x8f: {  	_ = 	snop  }
0x90: {  	s2 =	sld [smem:$0x3FD0];
	(tm) =	ssettm $0x1  }
0x91: {  	s18 =	sld [smem:$0x3FFB];
	_ =	sdelay $0x3  }
0x92: {  	_ =	strace s18  }
0x93: {  	s3 =	sld [smem:$0x3FFC];
	_ =	sdelay $0x3  }
0x94: {  	_ =	strace s3  }
0x95: {  	s3 =	sld [smem:$0x3FFD];
	_ =	sdelay $0x3  }
0x96: {  	_ =	strace s3  }
0x97: {  	_ =	strace $0x8FFFFFFF  }
0x98: {  	s19 =	sld [smem:$0x3FDB];
	_ =	sdelay $0x1  }
0x99: {  	s4 =	simm.s32 $_scs_section_size  }
0x9a: {  	s5 =	simm.s32 $_size__tile_overlayer_lowered;
	s6 =	simm.s32 $_tile_overlayer_lowered  }
0x9b: {  	s22 =	simm.s32 $0x1BFF;
	s21 =	sshll.u32 s6, $0x1;
	s3 =	sadd.s32 s4, s19  }
0x9c: {  	s7 =	simm.s32 $0x0;
	s20 =	sshll.u32 s5, $0x1;
	s5 =	sadd.s32 s21, s3  }
0x9d: {  	[timem:s7], [sflag:s22] =	dma.local [hbm:s5], s20  }
0x9e: {  	_ =	swait.ge [sflag:s22], s20  }
0x9f: {  	s4 =	ssub.s32 $0x0, s20;
	[sflag:s22] =	ssyncset.done $0x0  }
0xa0: {  	[sflag:s22] =	ssyncadd.s32 s4;
	_ =	sdelay $0x1  }
0xa1: {  	s23 =	simm.s32 $0x1B8B  }
0xa2: {  	_ =	swait.ge [sflag:s23], $0x1  }
0xa3: {  	[sflag:s23] =	ssyncset.done $0x0  }
0xa4: {  	s25 =	simm.s32 $0x1B8E;
	s24 =	sld [smem:$0x3FFE];
	[sflag:s23] =	ssyncadd.s32 $0xFFFFFFFF  }
0xa5: {  	s26 =	simm.s32 $execute0_lowered;
	[smem:$0x3FD2] =	sst s25  }
0xa6: {  	s5 =	sshll.u32 s26, $0x1;
	_ =	strace $0x80000049;
	[dreg:$0x1] =	wrdreg $0xFFFFFFFF  }
0xa7: {  	s28 =	simm.s32 $_size_execute0_lowered;
	s3 =	sadd.s32 s3, s5;
	[dreg:$0x0] =	wrdreg $0x0  }
0xa8: {  	s5 =	sshll.u32 s28, $0x1;
	[dreg:$0x2] =	wrdreg s3  }
0xa9: {  	[dreg:$0x3] =	wrdreg s5  }
0xaa: {  	[dreg:$0x4] =	wrdreg $0xC0  }
0xab: {  	_ =	task [dreg:s7], $0x5FFFF  }
0xac: {  	[dreg:$0x1] =	wrdreg $0xFFFFFFFF  }
0xad: {  	[dreg:$0x0] =	wrdreg $0x60  }
0xae: {  	[dreg:$0x2] =	wrdreg s24  }
0xaf: {  	[dreg:$0x3] =	wrdreg s2  }
0xb0: {  	[dreg:$0x4] =	wrdreg $0xA8000  }
0xb1: {  	[dreg:$0x5] =	wrdreg $0x9  }
0xb2: {  	_ =	task.clear_ibuf [dreg:s7], $0x6FFFF;
	_ =	strace $0x90000049  }
0xb3: {  	s29 =	simm.s32 $0x9;
	_ =	strace $0x8000004B  }
0xb4: {  	_ =	swait.ge [sflag:s29], $0x1  }
0xb5: {  	[sflag:s29] =	ssyncadd.s32 $0xFFFFFFFF  }
0xb6: {  	_ =	strace $0x9000004B  }
0xb7: {  	_ =	sfence  }
0xb8: {  	s30 =	sld [smem:$0x0];
	_ =	sdelay $0x2  }
0xb9: {  	s31 =	sshll.u32 s1, $0xD;
	s1 =	sshrl.u32 s1, $0x2  }
0xba: {  	s3 =	sand.u32 $0x4000, s31;
	s1 =	sadd.s32 s1, s30  }
0xbb: {  	s0 =	sor.u32 s3, s0;
	s1 =	sshll.u32 s1, $0x11  }
0xbc: {  	s0 =	sor.u32 s1, s0  }
0xbd: {  	s0 =	sadd.s32 $0x8F2B, s0  }
0xbe: {  	[sflag:s0] =	ssyncadd.remote.s32 $0x1  }
0xbf: {  	_ =	sfence.sel $0xFFFF  }
0xc0: {  	[dreg:$0x0] =	wrdreg $0xFFFFFFFF;
	(pc) =	sbr.abs _section_cstart, $3  }
0xc1: {  	[dreg:$0x1] =	wrdreg $0xFFFFFFFF  }
0xc2: {  	_ =	task.clear_ibuf [dreg:s7], $0x2FFFF;
	_ =	strace $0x9FFFFFFF  }
0xc3: {  	(tm) =	ssettm $0x7FFFFFFF  }
tec
execute0_lowered:
.L_overlay_start_1:
0x0: {  	(tag) =	ssettag $0x1  }
0x1: {  	s6 =	rddreg [dreg:$0x0]  }
0x2: {  	s9 =	rddreg [dreg:$0x1]  }
0x3: {  	s2 =	rddreg [dreg:$0x2]  }
0x4: {  	s0 =	rddreg [dreg:$0x3];
	s3 =	simm.s32 $0x0;
	s4 =	srdreg.scid  }
0x5: {  	s1 =	stileid.u32;
	s16 =	simm.s32 $0x80;
	s17 =	simm.s32 $0x2800  }
0x6: {  	s18 =	simm.s32 $0x6800;
	s19 =	simm.s32 $0x1;
	s20 =	simm.s32 $0x2  }
0x7: {  	s21 =	simm.s32 $0x2700;
	s22 =	simm.s32 $0x2780;
	s23 =	simm.s32 $0x0  }
0x8: {  	[smem:$0x7FF] =	sst s3;
	s7 =	sand.u32 $0x1, s4;
	s8 =	smul.u32 $0x2800, s1  }
0x9: {  	s4 =	sadd.s32 $0xF000, s6;
	s11 =	sadd.s32 $0x2000, s6;
	s5 =	sadd.s32 $0xC800, s6  }
0xa: {  	s12 =	sshll.u32 s1, $0x1;
	s25 =	smul.u32 $0x50000, s1;
	s29 =	sshll.u32 s1, $0x6  }
0xb: {  	s10 =	smul.u32 $0x28000, s7;
	s24 =	ssub.s32 $0x2, s7;
	s7 =	sor.u32 s7, s12  }
0xc: {  	_ =	strace $0x8000004A;
	s13 =	sshrl.u32 s24, $0x1;
	s26 =	smul.u32 $0x2800, s7  }
0xd: {  	s28 =	sshrl.u32 s25, $0x2;
	s30 =	smul.u32 $0x500, s7;
	s8 =	sadd.s32 s8, s10  }
0xe: {  	s13 =	ssub.s32 s24, s13;
	s15 =	sadd.s32 s28, s2;
	s14 =	sadd.s32 s8, s6  }
0xf: {  	s6 =	sor.u32 $0x1C03, s29;
	s31 =	sshrl.u32 s26, $0x3;
	s7 =	sadd.s32 s9, s30  }
0x10: {  	s8 =	sadd.s32 s11, s30;
	s12 =	smax.u32 s13, $0x1;
	s10 =	sadd.s32 $0x280, s31  }
0x11: {  	s13 =	sshrl.u32 s15, $0x3;
	s15 =	simm.s32 $0x1400;
	s9 =	sadd.s32 s9, s10  }
0x12: {  	s10 =	sadd.s32 s11, s10;
	s11 =	sadd.s32 $0x37000, s14;
	s14 =	simm.s32 $0x3  }
.LBB2_1:
0x13: {  	[spmem:s13], [sflag:s6] =	dma.local [hbm:s5], $0x2800  }
0x14: {  	_ =	swait.ge [sflag:s14], $0x2800  }
0x15: {  	[sflag:s14] =	ssyncset.done $0x0  }
0x16: {  	[sflag:s14] =	ssyncadd.s32 $0xFFFFD800  }
0x17: {  	[bflag:$0x0] =	sbarrier.arrive $0xFFFF  }
0x18: {  	[tilespmem:s3], [sflag:$0x3] =	stream.linear.gather [hbm4b:s7+s3], $0x1400, $0x38;
	[tilespmem:$0x1E800] =	vst v63  }
0x19: {  	_ =	swait.ge [sflag:s14], $0x1400  }
0x1a: {  	[sflag:s14] =	ssyncset.done $0x0  }
0x1b: {  	[sflag:s14] =	ssyncadd.s32 $0xFFFFEC00  }
0x1c: {  	[tilespmem:s15], [sflag:$0x3] =	stream.linear.gather [hbm4b:s8+s3], $0x1400, $0x38;
	[tilespmem:$0x1E800] =	vst v63  }
0x1d: {  	_ =	swait.ge [sflag:s14], $0x1400  }
0x1e: {  	[sflag:s14] =	ssyncset.done $0x0  }
0x1f: {  	[sflag:s14] =	ssyncadd.s32 $0xFFFFEC00  }
0x20: {  	[tilespmem:s17], [sflag:$0x1] =	stream.indirect.gather [hbm4b:s4+s16], $0x80, s3, s16, $0xb8;
	[tilespmem:$0x1E800] =	vst v63  }
0x21: {  	_ = 	snop  }
0x22: {  	[tilespmem:s18], [sflag:$0x2] =	stream.indirect.gather [hbm4b:s4+s16], $0x80, s16, s16, $0xb8;
	[tilespmem:$0x1E800] =	vst v63  }
0x23: {  	_ =	swait.ge [sflag:s19], $0x4000  }
0x24: {  	[sflag:s19] =	ssyncset.done $0x0  }
0x25: {  	s24 =	simm.s32 $0x1400;
	[sflag:s19] =	ssyncadd.s32 $0xFFFFC000  }
0x26: {  	[spmem:s2] =	stream.indirect.scatter.add.f32 [tilespmem:s17], [sflag:$0x3], $0x80, s24, s16, $0xb8;
	[tilespmem:$0x1E800] =	vst v63  }
0x27: {  	_ =	swait.ge [sflag:s14], $0x4000  }
0x28: {  	[sflag:s14] =	ssyncset.done $0x0  }
0x29: {  	s30 =	simm.s32 $0x100;
	[sflag:s14] =	ssyncadd.s32 $0xFFFFC000  }
0x2a: {  	[tilespmem:s17], [sflag:$0x1] =	stream.indirect.gather [hbm4b:s4+s16], $0x80, s30, s16, $0xb8;
	[tilespmem:$0x1E800] =	vst v63  }
0x2b: {  	_ =	swait.ge [sflag:s20], $0x4000  }
0x2c: {  	[sflag:s20] =	ssyncset.done $0x0  }
0x2d: {  	s31 =	simm.s32 $0x1480;
	[sflag:s20] =	ssyncadd.s32 $0xFFFFC000  }
0x2e: {  	[spmem:s2] =	stream.indirect.scatter.add.f32 [tilespmem:s18], [sflag:$0x3], $0x80, s31, s16, $0xb8;
	[tilespmem:$0x1E800] =	vst v63  }
0x2f: {  	_ =	swait.ge [sflag:s14], $0x4000  }
0x30: {  	[sflag:s14] =	ssyncset.done $0x0  }
0x31: {  	s25 =	simm.s32 $0x180;
	s24 =	simm.s32 $0x400;
	[sflag:s14] =	ssyncadd.s32 $0xFFFFC000  }
.LBB2_2:
0x32: {  	[tilespmem:s18], [sflag:$0x2] =	stream.indirect.gather [hbm4b:s4+s16], $0x80, s25, s16, $0xb8;
	[tilespmem:$0x1E800] =	vst v63  }
0x33: {  	s25 =	smov.u32 s24  }
0x34: {  	p0 =	sne.s32 s24, $0x4800;
	s24 =	sadd.s32 $0x400, s24;
	_ =	swait.ge [sflag:s19], $0x4000  }
0x35: {  	s25 =	sshra.s32 s25, $0x2;
	[sflag:s19] =	ssyncset.done $0x0  }
0x36: {  	s26 =	sadd.s32 $0x1400, s25;
	[sflag:s19] =	ssyncadd.s32 $0xFFFFC000  }
0x37: {  	[spmem:s2] =	stream.indirect.scatter.add.f32 [tilespmem:s17], [sflag:$0x3], $0x80, s26, s16, $0xb8;
	[tilespmem:$0x1E800] =	vst v63  }
0x38: {  	_ =	swait.ge [sflag:s14], $0x4000  }
0x39: {  	[sflag:s14] =	ssyncset.done $0x0  }
0x3a: {  	s26 =	sadd.s32 $0x100, s25;
	[sflag:s14] =	ssyncadd.s32 $0xFFFFC000  }
0x3b: {  	[tilespmem:s17], [sflag:$0x1] =	stream.indirect.gather [hbm4b:s4+s16], $0x80, s26, s16, $0xb8;
	[tilespmem:$0x1E800] =	vst v63  }
0x3c: {  	_ =	swait.ge [sflag:s20], $0x4000  }
0x3d: {  	[sflag:s20] =	ssyncset.done $0x0  }
.Ltmp0:
0x3e: {  	s26 =	sadd.s32 $0x1480, s25;
	[sflag:s20] =	ssyncadd.s32 $0xFFFFC000;
	(pc) =	sbr.rel @p0 .LBB2_2-.Ltmp0, $4  }
0x3f: {  	[spmem:s2] =	stream.indirect.scatter.add.f32 [tilespmem:s18], [sflag:$0x3], $0x80, s26, s16, $0xb8;
	[tilespmem:$0x1E800] =	vst v63  }
0x40: {  	_ =	swait.ge [sflag:s14], $0x4000  }
0x41: {  	[sflag:s14] =	ssyncset.done $0x0  }
0x42: {  	s25 =	sadd.s32 $0x180, s25;
	[sflag:s14] =	ssyncadd.s32 $0xFFFFC000  }
0x43: {  	[tilespmem:s18], [sflag:$0x2] =	stream.indirect.gather [hbm4b:s4+s16], $0x80, s25, s16, $0xb8;
	[tilespmem:$0x1E800] =	vst v63  }
0x44: {  	_ =	swait.ge [sflag:s19], $0x4000  }
0x45: {  	[sflag:s19] =	ssyncset.done $0x0  }
0x46: {  	[sflag:s19] =	ssyncadd.s32 $0xFFFFC000  }
0x47: {  	[spmem:s2] =	stream.indirect.scatter.add.f32 [tilespmem:s17], [sflag:$0x3], $0x80, s21, s16, $0xb8;
	[tilespmem:$0x1E800] =	vst v63  }
0x48: {  	_ =	swait.ge [sflag:s14], $0x4000  }
0x49: {  	[sflag:s14] =	ssyncset.done $0x0  }
0x4a: {  	[sflag:s14] =	ssyncadd.s32 $0xFFFFC000  }
0x4b: {  	_ =	swait.ge [sflag:s20], $0x4000  }
0x4c: {  	[sflag:s20] =	ssyncset.done $0x0  }
0x4d: {  	[sflag:s20] =	ssyncadd.s32 $0xFFFFC000  }
0x4e: {  	[spmem:s2] =	stream.indirect.scatter.add.f32 [tilespmem:s18], [sflag:$0x3], $0x80, s22, s16, $0xb8;
	[tilespmem:$0x1E800] =	vst v63  }
0x4f: {  	_ =	swait.ge [sflag:s14], $0x4000  }
0x50: {  	[sflag:s14] =	ssyncset.done $0x0  }
0x51: {  	s24 =	simm.s32 $0x0;
	[sflag:s14] =	ssyncadd.s32 $0xFFFFC000  }
0x52: {  	[tilespmem:s24], [sflag:$0x3] =	stream.linear.gather [hbm4b:s9+s24], $0x1400, $0x38;
	[tilespmem:$0x1E800] =	vst v63  }
0x53: {  	_ =	swait.ge [sflag:s14], $0x1400  }
0x54: {  	[sflag:s14] =	ssyncset.done $0x0  }
0x55: {  	[sflag:s14] =	ssyncadd.s32 $0xFFFFEC00  }
0x56: {  	[tilespmem:s15], [sflag:$0x3] =	stream.linear.gather [hbm4b:s10+s24], $0x1400, $0x38;
	[tilespmem:$0x1E800] =	vst v63  }
0x57: {  	_ =	swait.ge [sflag:s14], $0x1400  }
0x58: {  	[sflag:s14] =	ssyncset.done $0x0  }
0x59: {  	[sflag:s14] =	ssyncadd.s32 $0xFFFFEC00  }
0x5a: {  	[tilespmem:s17], [sflag:$0x1] =	stream.indirect.gather [hbm4b:s4+s16], $0x80, s24, s16, $0xb8;
	[tilespmem:$0x1E800] =	vst v63  }
0x5b: {  	_ = 	snop  }
0x5c: {  	[tilespmem:s18], [sflag:$0x2] =	stream.indirect.gather [hbm4b:s4+s16], $0x80, s16, s16, $0xb8;
	[tilespmem:$0x1E800] =	vst v63  }
0x5d: {  	_ =	swait.ge [sflag:s19], $0x4000  }
0x5e: {  	[sflag:s19] =	ssyncset.done $0x0  }
0x5f: {  	s29 =	simm.s32 $0x1400;
	[sflag:s19] =	ssyncadd.s32 $0xFFFFC000  }
0x60: {  	[spmem:s2] =	stream.indirect.scatter.add.f32 [tilespmem:s17], [sflag:$0x3], $0x80, s29, s16, $0xb8;
	[tilespmem:$0x1E800] =	vst v63  }
0x61: {  	_ =	swait.ge [sflag:s14], $0x4000  }
0x62: {  	[sflag:s14] =	ssyncset.done $0x0  }
0x63: {  	s30 =	simm.s32 $0x100;
	[sflag:s14] =	ssyncadd.s32 $0xFFFFC000  }
0x64: {  	[tilespmem:s17], [sflag:$0x1] =	stream.indirect.gather [hbm4b:s4+s16], $0x80, s30, s16, $0xb8;
	[tilespmem:$0x1E800] =	vst v63  }
0x65: {  	_ =	swait.ge [sflag:s20], $0x4000  }
0x66: {  	[sflag:s20] =	ssyncset.done $0x0  }
0x67: {  	s31 =	simm.s32 $0x1480;
	[sflag:s20] =	ssyncadd.s32 $0xFFFFC000  }
0x68: {  	[spmem:s2] =	stream.indirect.scatter.add.f32 [tilespmem:s18], [sflag:$0x3], $0x80, s31, s16, $0xb8;
	[tilespmem:$0x1E800] =	vst v63  }
0x69: {  	_ =	swait.ge [sflag:s14], $0x4000  }
0x6a: {  	[sflag:s14] =	ssyncset.done $0x0  }
0x6b: {  	s25 =	simm.s32 $0x180;
	s24 =	simm.s32 $0x400;
	[sflag:s14] =	ssyncadd.s32 $0xFFFFC000  }
.LBB2_4:
0x6c: {  	[tilespmem:s18], [sflag:$0x2] =	stream.indirect.gather [hbm4b:s4+s16], $0x80, s25, s16, $0xb8;
	[tilespmem:$0x1E800] =	vst v63  }
0x6d: {  	s25 =	smov.u32 s24  }
0x6e: {  	p0 =	sne.s32 s24, $0x4800;
	s24 =	sadd.s32 $0x400, s24;
	_ =	swait.ge [sflag:s19], $0x4000  }
0x6f: {  	s25 =	sshra.s32 s25, $0x2;
	[sflag:s19] =	ssyncset.done $0x0  }
0x70: {  	s26 =	sadd.s32 $0x1400, s25;
	[sflag:s19] =	ssyncadd.s32 $0xFFFFC000  }
0x71: {  	[spmem:s2] =	stream.indirect.scatter.add.f32 [tilespmem:s17], [sflag:$0x3], $0x80, s26, s16, $0xb8;
	[tilespmem:$0x1E800] =	vst v63  }
0x72: {  	_ =	swait.ge [sflag:s14], $0x4000  }
0x73: {  	[sflag:s14] =	ssyncset.done $0x0  }
0x74: {  	s26 =	sadd.s32 $0x100, s25;
	[sflag:s14] =	ssyncadd.s32 $0xFFFFC000  }
0x75: {  	[tilespmem:s17], [sflag:$0x1] =	stream.indirect.gather [hbm4b:s4+s16], $0x80, s26, s16, $0xb8;
	[tilespmem:$0x1E800] =	vst v63  }
0x76: {  	_ =	swait.ge [sflag:s20], $0x4000  }
0x77: {  	[sflag:s20] =	ssyncset.done $0x0  }
.Ltmp1:
0x78: {  	s26 =	sadd.s32 $0x1480, s25;
	[sflag:s20] =	ssyncadd.s32 $0xFFFFC000;
	(pc) =	sbr.rel @p0 .LBB2_4-.Ltmp1, $4  }
0x79: {  	[spmem:s2] =	stream.indirect.scatter.add.f32 [tilespmem:s18], [sflag:$0x3], $0x80, s26, s16, $0xb8;
	[tilespmem:$0x1E800] =	vst v63  }
0x7a: {  	_ =	swait.ge [sflag:s14], $0x4000  }
0x7b: {  	[sflag:s14] =	ssyncset.done $0x0  }
0x7c: {  	s25 =	sadd.s32 $0x180, s25;
	[sflag:s14] =	ssyncadd.s32 $0xFFFFC000  }
0x7d: {  	[tilespmem:s18], [sflag:$0x2] =	stream.indirect.gather [hbm4b:s4+s16], $0x80, s25, s16, $0xb8;
	[tilespmem:$0x1E800] =	vst v63  }
0x7e: {  	_ =	swait.ge [sflag:s19], $0x4000  }
0x7f: {  	[sflag:s19] =	ssyncset.done $0x0  }
0x80: {  	[sflag:s19] =	ssyncadd.s32 $0xFFFFC000  }
0x81: {  	[spmem:s2] =	stream.indirect.scatter.add.f32 [tilespmem:s17], [sflag:$0x3], $0x80, s21, s16, $0xb8;
	[tilespmem:$0x1E800] =	vst v63  }
0x82: {  	_ =	swait.ge [sflag:s14], $0x4000  }
0x83: {  	[sflag:s14] =	ssyncset.done $0x0  }
0x84: {  	[sflag:s14] =	ssyncadd.s32 $0xFFFFC000  }
0x85: {  	_ =	swait.ge [sflag:s20], $0x4000  }
0x86: {  	[sflag:s20] =	ssyncset.done $0x0  }
0x87: {  	[sflag:s20] =	ssyncadd.s32 $0xFFFFC000  }
0x88: {  	[spmem:s2] =	stream.indirect.scatter.add.f32 [tilespmem:s18], [sflag:$0x3], $0x80, s22, s16, $0xb8;
	[tilespmem:$0x1E800] =	vst v63  }
0x89: {  	_ =	swait.ge [sflag:s14], $0x4000  }
0x8a: {  	s23 =	sadd.s32 $0x1, s23;
	[sflag:s14] =	ssyncset.done $0x0  }
0x8b: {  	p0 =	sne.s32 s23, s12;
	[sflag:s14] =	ssyncadd.s32 $0xFFFFC000  }
.Ltmp2:
0x8c: {  	[bflag:$0x0] =	sbarrier.arrive $0xFFFF;
	(pc) =	sbr.rel @p0 .LBB2_1-.Ltmp2, $4  }
0x8d: {  	[hbm:s11], [sflag:s6] =	dma.local [spmem:s13], $0x2800  }
0x8e: {  	_ =	swait.ge [sflag:s14], $0x2800  }
0x8f: {  	[sflag:s14] =	ssyncset.done $0x0  }
0x90: {  	[sflag:s14] =	ssyncadd.s32 $0xFFFFD800  }
0x91: {  	_ =	sfence.sel $0x180000  }
0x92: {  	[bflag:$0x0] =	sbarrier.arrive $0xFFFF  }
0x93: {  	p0 =	sne.s32 s1, $0x0;
	_ =	strace $0x9000004A  }
0x94: {  	s0 =	sadd.s32 @!p0 $0x100000, s0;
	[bflag:$0x2] =	sbarrier.arrive $0xFFFF  }
0x95: {  	[sflag:s0] =	ssyncadd.tile.s32 @!p0 $0x1;
	_ =	shalt  }
.Lfunc_end2:
_tile_overlayer_lowered:
.L_overlay_start_2:
0x96: {  	(tag) =	ssettag $0x2  }
0x97: {  	s0 =	rddreg [dreg:$0x0];
	s2 =	stileid.u32  }
0x98: {  	s1 =	rddreg [dreg:$0x1];
	p0 =	sne.s32 s2, $0x0  }
0x99: {  	s3 =	rddreg [dreg:$0x2];
	[bflag:$0x3] =	sbarrier.arrive $0xFFFF;
	s2 =	simm.s32 @!p0 $0x1C03  }
0x9a: {  	[timem:s3], [sflag:s2] =	dma.local @!p0 [hbm:s0], s1  }
0x9b: {  	s0 =	simm.s32 @!p0 $0x3  }
0x9c: {  	_ =	swait.ge @!p0 [sflag:s0], s1  }
0x9d: {  	s1 =	ssub.s32 @!p0 $0x0, s1;
	[sflag:s0] =	ssyncset.done @!p0 $0x0  }
0x9e: {  	[sflag:s0] =	ssyncadd.s32 @!p0 s1  }
0x9f: {  	[bflag:$0x3] =	sbarrier.arrive $0xFFFF  }
0xa0: {  	_ =	shalt  }

// kernel: kernel.15.cloned.1.call-start
scs
__scs_entry_jumppad:
0x0: {  	(pc) =	sbr.rel $0x88, $3  }
0x1: {  	(tag) =	ssettag $0x0;
	lr =	simm.s32 $0x1  }
0x2: {  	[smem:$0x3F9B] =	sst lr;
	_ =	strace $0xD0000000  }
0x3: {  	_ = 	snop  }
0x4: {  	_ = 	snop  }
0x5: {  	_ = 	snop  }
0x6: {  	_ = 	snop  }
0x7: {  	_ = 	snop  }
__scs_overlays_trampoline_lowered:
0x8: {  	[smem:$0x3FAA] =	sst s0  }
0x9: {  	[smem:$0x3FAB] =	sst s1  }
0xa: {  	[smem:$0x3FAC] =	sst s2  }
0xb: {  	[smem:$0x3FAD] =	sst s3  }
0xc: {  	[smem:$0x3FAE] =	sst s4  }
0xd: {  	[smem:$0x3FAF] =	sst s5  }
0xe: {  	[smem:$0x3FB0] =	sst s6  }
0xf: {  	[smem:$0x3FB1] =	sst s7  }
0x10: {  	[smem:$0x3FB2] =	sst s8  }
0x11: {  	[smem:$0x3FB3] =	sst s9;
	s0 =	simm.s32 @!p0 $0x0  }
0x12: {  	s1 =	sld [smem:$0x3F99];
	s0 =	simm.s32 @p0 $0x1  }
0x13: {  	[smem:$0x3FB4] =	sst s0;
	s0 =	simm.s32 @!p1 $0x0  }
0x14: {  	s2 =	sld [smem:$0x3F98];
	s0 =	simm.s32 @p1 $0x1  }
0x15: {  	[smem:$0x3FB5] =	sst s0;
	s0 =	simm.s32 @!p2 $0x0  }
0x16: {  	s3 =	sld [smem:$0x3FDB];
	s0 =	simm.s32 @p2 $0x1  }
0x17: {  	s4 =	simm.s32 $0x1BF5;
	[smem:$0x3FB7] =	sst s0  }
0x18: {  	s0 =	sld [smem:$0x3F9A];
	_ =	swait.ge [sflag:s4], $0x0  }
0x19: {  	s7 =	sld [smem:$0x3F9B]  }
0x1a: {  	s8 =	sadd.s32 $0xFFFFE003, lr  }
0x1b: {  	s9 =	sadd.s32 $0xFFFFFEF7, lr;
	s5 =	simm.s32 $0xFFFFFFFF;
	p2 =	slt.u32 s8, $0xFFFFF086  }
0x1c: {  	p1 =	slt.u32 s9, $0xF7A;
	s5 =	simm.s32 @!p2 $0x0  }
0x1d: {  	s5 =	simm.s32 @p1 $0x1;
	p0 =	seq.s32 s7, s2  }
0x1e: {  	s7 =	smul.u32 @!p0 $0xF7A, s2;
	p2 =	seq.s32 @!p0 s5, $0x0  }
0x1f: {  	s9 =	smul.u32 $0xF7A, s1;
	s8 =	simm.s32 @!p0 $0x1BF5;
	p2 =	por !p2, p0  }
0x20: {  	[sflag:s8] =	ssyncset.s32 @!p0 $0xFFFFF086;
	s6 =	sadd.s32 @!p0 s3, s7;
	s7 =	simm.s32 @!p0 $0x108  }
0x21: {  	s3 =	sadd.s32 s3, s9;
	s6 =	sadd.s32 @!p0 $0x88, s6;
	s7 =	simm.s32 @p2 $0x1082  }
0x22: {  	[simem:s7], [sflag:s8] =	dma.local @!p0 [hbm:s6], $0xF7A  }
0x23: {  	s9 =	sor.u32 $0xD0000000, s2;
	s6 =	simm.s32 $0x108;
	_ =	swait.ge @!p0 [sflag:s8], $0x0  }
0x24: {  	s3 =	sadd.s32 $0x88, s3;
	s6 =	simm.s32 @!p1 $0x1082;
	[sflag:s4] =	ssyncset.s32 $0xFFFFF086  }
0x25: {  	[simem:s6], [sflag:s4] =	dma.local [hbm:s3], $0xF7A  }
0x26: {  	[smem:$0x3F9B] =	sst s1;
	(tag) =	ssettag s2;
	_ =	strace s9  }
0x27: {  	s1 =	sld [smem:$0x3FAB]  }
0x28: {  	s2 =	sld [smem:$0x3FAC]  }
0x29: {  	s4 =	sld [smem:$0x3FAE]  }
0x2a: {  	p0 =	seq.s32 s5, $0x0;
	s5 =	sld [smem:$0x3FAF]  }
0x2b: {  	s6 =	sld [smem:$0x3FB0]  }
0x2c: {  	s7 =	sld [smem:$0x3FB1]  }
0x2d: {  	s3 =	simm.s32 $0x108;
	s8 =	sld [smem:$0x3FB2]  }
0x2e: {  	s3 =	simm.s32 @!p0 $0x1082;
	s9 =	sld [smem:$0x3FB3]  }
0x2f: {  	lr =	sadd.s32 s0, s3;
	s0 =	sld [smem:$0x3FAA]  }
0x30: {  	s3 =	sld [smem:$0x3FAD]  }
0x31: {  	[smem:$0x3FB6] =	sst s10  }
0x32: {  	s10 =	sld [smem:$0x3FB4];
	_ =	sdelay $0x3  }
0x33: {  	p0 =	seq.s32 s10, $0x1;
	s10 =	sld [smem:$0x3FB6];
	_ =	sdelay $0x3  }
0x34: {  	[smem:$0x3FB6] =	sst s10  }
0x35: {  	s10 =	sld [smem:$0x3FB5];
	_ =	sdelay $0x3  }
0x36: {  	p1 =	seq.s32 s10, $0x1;
	s10 =	sld [smem:$0x3FB6];
	_ =	sdelay $0x3  }
0x37: {  	[smem:$0x3FB6] =	sst s10  }
0x38: {  	s10 =	sld [smem:$0x3FB7]  }
0x39: {  	_ = 	snop;
	(pc) =	sbr.ind lr, $3  }
0x3a: {  	_ = 	snop  }
0x3b: {  	_ = 	snop  }
0x3c: {  	p2 =	seq.s32 s10, $0x1;
	s10 =	sld [smem:$0x3FB6]  }
0x3d: {  	_ =	shalt  }
0x3e: {  	_ =	shalt  }
0x3f: {  	_ =	shalt  }
0x40: {  	_ =	shalt  }
0x41: {  	_ =	shalt  }
0x42: {  	_ =	shalt  }
0x43: {  	_ =	shalt  }
0x44: {  	_ =	shalt  }
0x45: {  	_ =	shalt  }
0x46: {  	_ =	shalt  }
0x47: {  	_ =	shalt  }
0x48: {  	_ =	shalt  }
0x49: {  	_ =	shalt  }
0x4a: {  	_ =	shalt  }
0x4b: {  	_ =	shalt  }
0x4c: {  	_ =	shalt  }
0x4d: {  	_ =	shalt  }
0x4e: {  	_ =	shalt  }
0x4f: {  	_ =	shalt  }
0x50: {  	_ =	shalt  }
0x51: {  	_ =	shalt  }
0x52: {  	_ =	shalt  }
0x53: {  	_ =	shalt  }
0x54: {  	_ =	shalt  }
0x55: {  	_ =	shalt  }
0x56: {  	_ =	shalt  }
0x57: {  	_ =	shalt  }
0x58: {  	_ =	shalt  }
0x59: {  	_ =	shalt  }
0x5a: {  	_ =	shalt  }
0x5b: {  	_ =	shalt  }
0x5c: {  	_ =	shalt  }
0x5d: {  	_ =	shalt  }
0x5e: {  	_ =	shalt  }
0x5f: {  	_ =	shalt  }
0x60: {  	_ =	shalt  }
0x61: {  	_ =	shalt  }
0x62: {  	_ =	shalt  }
0x63: {  	_ =	shalt  }
0x64: {  	_ =	shalt  }
0x65: {  	_ =	shalt  }
0x66: {  	_ =	shalt  }
0x67: {  	_ =	shalt  }
0x68: {  	_ =	shalt  }
0x69: {  	_ =	shalt  }
0x6a: {  	_ =	shalt  }
0x6b: {  	_ =	shalt  }
0x6c: {  	_ =	shalt  }
0x6d: {  	_ =	shalt  }
0x6e: {  	_ =	shalt  }
0x6f: {  	_ =	shalt  }
0x70: {  	_ =	shalt  }
0x71: {  	_ =	shalt  }
0x72: {  	_ =	shalt  }
0x73: {  	_ =	shalt  }
0x74: {  	_ =	shalt  }
0x75: {  	_ =	shalt  }
0x76: {  	_ =	shalt  }
0x77: {  	_ =	shalt  }
0x78: {  	_ =	shalt  }
0x79: {  	_ =	shalt  }
0x7a: {  	_ =	shalt  }
0x7b: {  	_ =	shalt  }
0x7c: {  	_ =	shalt  }
0x7d: {  	_ =	shalt  }
0x7e: {  	_ =	shalt  }
0x7f: {  	_ =	shalt  }
0x80: {  	_ =	shalt  }
0x81: {  	_ =	shalt  }
0x82: {  	_ =	shalt  }
0x83: {  	_ =	shalt  }
0x84: {  	_ =	shalt  }
0x85: {  	_ =	shalt  }
0x86: {  	_ =	shalt  }
0x87: {  	_ =	shalt  }
.Lfunc_end0:
.L_simem_size_0:
called_computation.2_lowered:
.L_overlay_start_0:
0x88: {  	s2 =	sld [smem:$0x3FD9]  }
0x89: {  	s3 =	sld [smem:$0x3FFE];
	_ =	sdelay $0x1  }
0x8a: {  	s1 =	srdreg.scid  }
0x8b: {  	s0 =	sand.u32 $0x1, s1  }
0x8c: {  	s17 =	sshll.u32 s0, $0xA;
	s2 =	sadd.s32 s3, s2  }
0x8d: {  	s2 =	sadd.s32 s2, s17  }
0x8e: {  	[smem:$0x3FC2] =	sst s2  }
0x8f: {  	_ = 	snop  }
0x90: {  	s2 =	sld [smem:$0x3FD0];
	(tm) =	ssettm $0x1  }
0x91: {  	s18 =	sld [smem:$0x3FFB];
	_ =	sdelay $0x3  }
0x92: {  	_ =	strace s18  }
0x93: {  	s3 =	sld [smem:$0x3FFC];
	_ =	sdelay $0x3  }
0x94: {  	_ =	strace s3  }
0x95: {  	s3 =	sld [smem:$0x3FFD];
	_ =	sdelay $0x3  }
0x96: {  	_ =	strace s3  }
0x97: {  	_ =	strace $0x8FFFFFFF  }
0x98: {  	s19 =	sld [smem:$0x3FDB];
	_ =	sdelay $0x1  }
0x99: {  	s4 =	simm.s32 $_scs_section_size  }
0x9a: {  	s5 =	simm.s32 $_size__tile_overlayer_lowered;
	s6 =	simm.s32 $_tile_overlayer_lowered  }
0x9b: {  	s22 =	simm.s32 $0x1BFF;
	s21 =	sshll.u32 s6, $0x1;
	s3 =	sadd.s32 s4, s19  }
0x9c: {  	s7 =	simm.s32 $0x0;
	s20 =	sshll.u32 s5, $0x1;
	s5 =	sadd.s32 s21, s3  }
0x9d: {  	[timem:s7], [sflag:s22] =	dma.local [hbm:s5], s20  }
0x9e: {  	_ =	swait.ge [sflag:s22], s20  }
0x9f: {  	s4 =	ssub.s32 $0x0, s20;
	[sflag:s22] =	ssyncset.done $0x0  }
0xa0: {  	[sflag:s22] =	ssyncadd.s32 s4;
	_ =	sdelay $0x1  }
0xa1: {  	s23 =	simm.s32 $0x1B8B  }
0xa2: {  	_ =	swait.ge [sflag:s23], $0x1  }
0xa3: {  	[sflag:s23] =	ssyncset.done $0x0  }
0xa4: {  	s25 =	simm.s32 $0x1B8E;
	s24 =	sld [smem:$0x3FFE];
	[sflag:s23] =	ssyncadd.s32 $0xFFFFFFFF  }
0xa5: {  	s26 =	simm.s32 $execute0_lowered;
	[smem:$0x3FD2] =	sst s25  }
0xa6: {  	s5 =	sshll.u32 s26, $0x1;
	_ =	strace $0x8000004C;
	[dreg:$0x1] =	wrdreg $0xFFFFFFFF  }
0xa7: {  	s28 =	simm.s32 $_size_execute0_lowered;
	s3 =	sadd.s32 s3, s5;
	[dreg:$0x0] =	wrdreg $0x0  }
0xa8: {  	s5 =	sshll.u32 s28, $0x1;
	[dreg:$0x2] =	wrdreg s3  }
0xa9: {  	[dreg:$0x3] =	wrdreg s5  }
0xaa: {  	[dreg:$0x4] =	wrdreg $0xC0  }
0xab: {  	_ =	task [dreg:s7], $0x5FFFF  }
0xac: {  	[dreg:$0x1] =	wrdreg $0xFFFFFFFF  }
0xad: {  	[dreg:$0x0] =	wrdreg $0x60  }
0xae: {  	[dreg:$0x2] =	wrdreg s24  }
0xaf: {  	[dreg:$0x3] =	wrdreg s2  }
0xb0: {  	[dreg:$0x4] =	wrdreg $0xA8000  }
0xb1: {  	[dreg:$0x5] =	wrdreg $0x9  }
0xb2: {  	_ =	task.clear_ibuf [dreg:s7], $0x6FFFF;
	_ =	strace $0x9000004C  }
0xb3: {  	s29 =	simm.s32 $0x9;
	_ =	strace $0x8000004E  }
0xb4: {  	_ =	swait.ge [sflag:s29], $0x1  }
0xb5: {  	[sflag:s29] =	ssyncadd.s32 $0xFFFFFFFF  }
0xb6: {  	_ =	strace $0x9000004E  }
0xb7: {  	_ =	sfence  }
0xb8: {  	s30 =	sld [smem:$0x0];
	_ =	sdelay $0x2  }
0xb9: {  	s31 =	sshll.u32 s1, $0xD;
	s1 =	sshrl.u32 s1, $0x2  }
0xba: {  	s3 =	sand.u32 $0x4000, s31;
	s1 =	sadd.s32 s1, s30  }
0xbb: {  	s0 =	sor.u32 s3, s0;
	s1 =	sshll.u32 s1, $0x11  }
0xbc: {  	s0 =	sor.u32 s1, s0  }
0xbd: {  	s0 =	sadd.s32 $0x8F2B, s0  }
0xbe: {  	[sflag:s0] =	ssyncadd.remote.s32 $0x1  }
0xbf: {  	_ =	sfence.sel $0xFFFF  }
0xc0: {  	[dreg:$0x0] =	wrdreg $0xFFFFFFFF;
	(pc) =	sbr.abs _section_cstart, $3  }
0xc1: {  	[dreg:$0x1] =	wrdreg $0xFFFFFFFF  }
0xc2: {  	_ =	task.clear_ibuf [dreg:s7], $0x2FFFF;
	_ =	strace $0x9FFFFFFF  }
0xc3: {  	(tm) =	ssettm $0x7FFFFFFF  }
tec
execute0_lowered:
.L_overlay_start_1:
0x0: {  	(tag) =	ssettag $0x1  }
0x1: {  	s6 =	rddreg [dreg:$0x0]  }
0x2: {  	s9 =	rddreg [dreg:$0x1]  }
0x3: {  	s2 =	rddreg [dreg:$0x2]  }
0x4: {  	s0 =	rddreg [dreg:$0x3];
	s3 =	simm.s32 $0x0;
	s4 =	srdreg.scid  }
0x5: {  	s1 =	stileid.u32;
	s16 =	simm.s32 $0x80;
	s17 =	simm.s32 $0x2800  }
0x6: {  	s18 =	simm.s32 $0x6800;
	s19 =	simm.s32 $0x1;
	s20 =	simm.s32 $0x2  }
0x7: {  	s21 =	simm.s32 $0x2700;
	s22 =	simm.s32 $0x2780;
	s23 =	simm.s32 $0x0  }
0x8: {  	[smem:$0x7FF] =	sst s3;
	s7 =	sand.u32 $0x1, s4;
	s8 =	smul.u32 $0x2800, s1  }
0x9: {  	s4 =	sadd.s32 $0xF000, s6;
	s11 =	sadd.s32 $0x2000, s6;
	s5 =	sadd.s32 $0xC800, s6  }
0xa: {  	s12 =	sshll.u32 s1, $0x1;
	s25 =	smul.u32 $0x50000, s1;
	s29 =	sshll.u32 s1, $0x6  }
0xb: {  	s10 =	smul.u32 $0x28000, s7;
	s24 =	ssub.s32 $0x2, s7;
	s7 =	sor.u32 s7, s12  }
0xc: {  	_ =	strace $0x8000004D;
	s13 =	sshrl.u32 s24, $0x1;
	s26 =	smul.u32 $0x2800, s7  }
0xd: {  	s28 =	sshrl.u32 s25, $0x2;
	s30 =	smul.u32 $0x500, s7;
	s8 =	sadd.s32 s8, s10  }
0xe: {  	s13 =	ssub.s32 s24, s13;
	s15 =	sadd.s32 s28, s2;
	s14 =	sadd.s32 s8, s6  }
0xf: {  	s6 =	sor.u32 $0x1C03, s29;
	s31 =	sshrl.u32 s26, $0x3;
	s7 =	sadd.s32 s9, s30  }
0x10: {  	s8 =	sadd.s32 s11, s30;
	s12 =	smax.u32 s13, $0x1;
	s10 =	sadd.s32 $0x280, s31  }
0x11: {  	s13 =	sshrl.u32 s15, $0x3;
	s15 =	simm.s32 $0x1400;
	s9 =	sadd.s32 s9, s10  }
0x12: {  	s10 =	sadd.s32 s11, s10;
	s11 =	sadd.s32 $0x37000, s14;
	s14 =	simm.s32 $0x3  }
.LBB2_1:
0x13: {  	[spmem:s13], [sflag:s6] =	dma.local [hbm:s5], $0x2800  }
0x14: {  	_ =	swait.ge [sflag:s14], $0x2800  }
0x15: {  	[sflag:s14] =	ssyncset.done $0x0  }
0x16: {  	[sflag:s14] =	ssyncadd.s32 $0xFFFFD800  }
0x17: {  	[bflag:$0x0] =	sbarrier.arrive $0xFFFF  }
0x18: {  	[tilespmem:s3], [sflag:$0x3] =	stream.linear.gather [hbm4b:s7+s3], $0x1400, $0x38;
	[tilespmem:$0x1E800] =	vst v63  }
0x19: {  	_ =	swait.ge [sflag:s14], $0x1400  }
0x1a: {  	[sflag:s14] =	ssyncset.done $0x0  }
0x1b: {  	[sflag:s14] =	ssyncadd.s32 $0xFFFFEC00  }
0x1c: {  	[tilespmem:s15], [sflag:$0x3] =	stream.linear.gather [hbm4b:s8+s3], $0x1400, $0x38;
	[tilespmem:$0x1E800] =	vst v63  }
0x1d: {  	_ =	swait.ge [sflag:s14], $0x1400  }
0x1e: {  	[sflag:s14] =	ssyncset.done $0x0  }
0x1f: {  	[sflag:s14] =	ssyncadd.s32 $0xFFFFEC00  }
0x20: {  	[tilespmem:s17], [sflag:$0x1] =	stream.indirect.gather [hbm4b:s4+s16], $0x80, s3, s16, $0xb8;
	[tilespmem:$0x1E800] =	vst v63  }
0x21: {  	_ = 	snop  }
0x22: {  	[tilespmem:s18], [sflag:$0x2] =	stream.indirect.gather [hbm4b:s4+s16], $0x80, s16, s16, $0xb8;
	[tilespmem:$0x1E800] =	vst v63  }
0x23: {  	_ =	swait.ge [sflag:s19], $0x4000  }
0x24: {  	[sflag:s19] =	ssyncset.done $0x0  }
0x25: {  	s24 =	simm.s32 $0x1400;
	[sflag:s19] =	ssyncadd.s32 $0xFFFFC000  }
0x26: {  	[spmem:s2] =	stream.indirect.scatter.add.f32 [tilespmem:s17], [sflag:$0x3], $0x80, s24, s16, $0xb8;
	[tilespmem:$0x1E800] =	vst v63  }
0x27: {  	_ =	swait.ge [sflag:s14], $0x4000  }
0x28: {  	[sflag:s14] =	ssyncset.done $0x0  }
0x29: {  	s30 =	simm.s32 $0x100;
	[sflag:s14] =	ssyncadd.s32 $0xFFFFC000  }
0x2a: {  	[tilespmem:s17], [sflag:$0x1] =	stream.indirect.gather [hbm4b:s4+s16], $0x80, s30, s16, $0xb8;
	[tilespmem:$0x1E800] =	vst v63  }
0x2b: {  	_ =	swait.ge [sflag:s20], $0x4000  }
0x2c: {  	[sflag:s20] =	ssyncset.done $0x0  }
0x2d: {  	s31 =	simm.s32 $0x1480;
	[sflag:s20] =	ssyncadd.s32 $0xFFFFC000  }
0x2e: {  	[spmem:s2] =	stream.indirect.scatter.add.f32 [tilespmem:s18], [sflag:$0x3], $0x80, s31, s16, $0xb8;
	[tilespmem:$0x1E800] =	vst v63  }
0x2f: {  	_ =	swait.ge [sflag:s14], $0x4000  }
0x30: {  	[sflag:s14] =	ssyncset.done $0x0  }
0x31: {  	s25 =	simm.s32 $0x180;
	s24 =	simm.s32 $0x400;
	[sflag:s14] =	ssyncadd.s32 $0xFFFFC000  }
.LBB2_2:
0x32: {  	[tilespmem:s18], [sflag:$0x2] =	stream.indirect.gather [hbm4b:s4+s16], $0x80, s25, s16, $0xb8;
	[tilespmem:$0x1E800] =	vst v63  }
0x33: {  	s25 =	smov.u32 s24  }
0x34: {  	p0 =	sne.s32 s24, $0x4800;
	s24 =	sadd.s32 $0x400, s24;
	_ =	swait.ge [sflag:s19], $0x4000  }
0x35: {  	s25 =	sshra.s32 s25, $0x2;
	[sflag:s19] =	ssyncset.done $0x0  }
0x36: {  	s26 =	sadd.s32 $0x1400, s25;
	[sflag:s19] =	ssyncadd.s32 $0xFFFFC000  }
0x37: {  	[spmem:s2] =	stream.indirect.scatter.add.f32 [tilespmem:s17], [sflag:$0x3], $0x80, s26, s16, $0xb8;
	[tilespmem:$0x1E800] =	vst v63  }
0x38: {  	_ =	swait.ge [sflag:s14], $0x4000  }
0x39: {  	[sflag:s14] =	ssyncset.done $0x0  }
0x3a: {  	s26 =	sadd.s32 $0x100, s25;
	[sflag:s14] =	ssyncadd.s32 $0xFFFFC000  }
0x3b: {  	[tilespmem:s17], [sflag:$0x1] =	stream.indirect.gather [hbm4b:s4+s16], $0x80, s26, s16, $0xb8;
	[tilespmem:$0x1E800] =	vst v63  }
0x3c: {  	_ =	swait.ge [sflag:s20], $0x4000  }
0x3d: {  	[sflag:s20] =	ssyncset.done $0x0  }
.Ltmp0:
0x3e: {  	s26 =	sadd.s32 $0x1480, s25;
	[sflag:s20] =	ssyncadd.s32 $0xFFFFC000;
	(pc) =	sbr.rel @p0 .LBB2_2-.Ltmp0, $4  }
0x3f: {  	[spmem:s2] =	stream.indirect.scatter.add.f32 [tilespmem:s18], [sflag:$0x3], $0x80, s26, s16, $0xb8;
	[tilespmem:$0x1E800] =	vst v63  }
0x40: {  	_ =	swait.ge [sflag:s14], $0x4000  }
0x41: {  	[sflag:s14] =	ssyncset.done $0x0  }
0x42: {  	s25 =	sadd.s32 $0x180, s25;
	[sflag:s14] =	ssyncadd.s32 $0xFFFFC000  }
0x43: {  	[tilespmem:s18], [sflag:$0x2] =	stream.indirect.gather [hbm4b:s4+s16], $0x80, s25, s16, $0xb8;
	[tilespmem:$0x1E800] =	vst v63  }
0x44: {  	_ =	swait.ge [sflag:s19], $0x4000  }
0x45: {  	[sflag:s19] =	ssyncset.done $0x0  }
0x46: {  	[sflag:s19] =	ssyncadd.s32 $0xFFFFC000  }
0x47: {  	[spmem:s2] =	stream.indirect.scatter.add.f32 [tilespmem:s17], [sflag:$0x3], $0x80, s21, s16, $0xb8;
	[tilespmem:$0x1E800] =	vst v63  }
0x48: {  	_ =	swait.ge [sflag:s14], $0x4000  }
0x49: {  	[sflag:s14] =	ssyncset.done $0x0  }
0x4a: {  	[sflag:s14] =	ssyncadd.s32 $0xFFFFC000  }
0x4b: {  	_ =	swait.ge [sflag:s20], $0x4000  }
0x4c: {  	[sflag:s20] =	ssyncset.done $0x0  }
0x4d: {  	[sflag:s20] =	ssyncadd.s32 $0xFFFFC000  }
0x4e: {  	[spmem:s2] =	stream.indirect.scatter.add.f32 [tilespmem:s18], [sflag:$0x3], $0x80, s22, s16, $0xb8;
	[tilespmem:$0x1E800] =	vst v63  }
0x4f: {  	_ =	swait.ge [sflag:s14], $0x4000  }
0x50: {  	[sflag:s14] =	ssyncset.done $0x0  }
0x51: {  	s24 =	simm.s32 $0x0;
	[sflag:s14] =	ssyncadd.s32 $0xFFFFC000  }
0x52: {  	[tilespmem:s24], [sflag:$0x3] =	stream.linear.gather [hbm4b:s9+s24], $0x1400, $0x38;
	[tilespmem:$0x1E800] =	vst v63  }
0x53: {  	_ =	swait.ge [sflag:s14], $0x1400  }
0x54: {  	[sflag:s14] =	ssyncset.done $0x0  }
0x55: {  	[sflag:s14] =	ssyncadd.s32 $0xFFFFEC00  }
0x56: {  	[tilespmem:s15], [sflag:$0x3] =	stream.linear.gather [hbm4b:s10+s24], $0x1400, $0x38;
	[tilespmem:$0x1E800] =	vst v63  }
0x57: {  	_ =	swait.ge [sflag:s14], $0x1400  }
0x58: {  	[sflag:s14] =	ssyncset.done $0x0  }
0x59: {  	[sflag:s14] =	ssyncadd.s32 $0xFFFFEC00  }
0x5a: {  	[tilespmem:s17], [sflag:$0x1] =	stream.indirect.gather [hbm4b:s4+s16], $0x80, s24, s16, $0xb8;
	[tilespmem:$0x1E800] =	vst v63  }
0x5b: {  	_ = 	snop  }
0x5c: {  	[tilespmem:s18], [sflag:$0x2] =	stream.indirect.gather [hbm4b:s4+s16], $0x80, s16, s16, $0xb8;
	[tilespmem:$0x1E800] =	vst v63  }
0x5d: {  	_ =	swait.ge [sflag:s19], $0x4000  }
0x5e: {  	[sflag:s19] =	ssyncset.done $0x0  }
0x5f: {  	s29 =	simm.s32 $0x1400;
	[sflag:s19] =	ssyncadd.s32 $0xFFFFC000  }
0x60: {  	[spmem:s2] =	stream.indirect.scatter.add.f32 [tilespmem:s17], [sflag:$0x3], $0x80, s29, s16, $0xb8;
	[tilespmem:$0x1E800] =	vst v63  }
0x61: {  	_ =	swait.ge [sflag:s14], $0x4000  }
0x62: {  	[sflag:s14] =	ssyncset.done $0x0  }
0x63: {  	s30 =	simm.s32 $0x100;
	[sflag:s14] =	ssyncadd.s32 $0xFFFFC000  }
0x64: {  	[tilespmem:s17], [sflag:$0x1] =	stream.indirect.gather [hbm4b:s4+s16], $0x80, s30, s16, $0xb8;
	[tilespmem:$0x1E800] =	vst v63  }
0x65: {  	_ =	swait.ge [sflag:s20], $0x4000  }
0x66: {  	[sflag:s20] =	ssyncset.done $0x0  }
0x67: {  	s31 =	simm.s32 $0x1480;
	[sflag:s20] =	ssyncadd.s32 $0xFFFFC000  }
0x68: {  	[spmem:s2] =	stream.indirect.scatter.add.f32 [tilespmem:s18], [sflag:$0x3], $0x80, s31, s16, $0xb8;
	[tilespmem:$0x1E800] =	vst v63  }
0x69: {  	_ =	swait.ge [sflag:s14], $0x4000  }
0x6a: {  	[sflag:s14] =	ssyncset.done $0x0  }
0x6b: {  	s25 =	simm.s32 $0x180;
	s24 =	simm.s32 $0x400;
	[sflag:s14] =	ssyncadd.s32 $0xFFFFC000  }
.LBB2_4:
0x6c: {  	[tilespmem:s18], [sflag:$0x2] =	stream.indirect.gather [hbm4b:s4+s16], $0x80, s25, s16, $0xb8;
	[tilespmem:$0x1E800] =	vst v63  }
0x6d: {  	s25 =	smov.u32 s24  }
0x6e: {  	p0 =	sne.s32 s24, $0x4800;
	s24 =	sadd.s32 $0x400, s24;
	_ =	swait.ge [sflag:s19], $0x4000  }
0x6f: {  	s25 =	sshra.s32 s25, $0x2;
	[sflag:s19] =	ssyncset.done $0x0  }
0x70: {  	s26 =	sadd.s32 $0x1400, s25;
	[sflag:s19] =	ssyncadd.s32 $0xFFFFC000  }
0x71: {  	[spmem:s2] =	stream.indirect.scatter.add.f32 [tilespmem:s17], [sflag:$0x3], $0x80, s26, s16, $0xb8;
	[tilespmem:$0x1E800] =	vst v63  }
0x72: {  	_ =	swait.ge [sflag:s14], $0x4000  }
0x73: {  	[sflag:s14] =	ssyncset.done $0x0  }
0x74: {  	s26 =	sadd.s32 $0x100, s25;
	[sflag:s14] =	ssyncadd.s32 $0xFFFFC000  }
0x75: {  	[tilespmem:s17], [sflag:$0x1] =	stream.indirect.gather [hbm4b:s4+s16], $0x80, s26, s16, $0xb8;
	[tilespmem:$0x1E800] =	vst v63  }
0x76: {  	_ =	swait.ge [sflag:s20], $0x4000  }
0x77: {  	[sflag:s20] =	ssyncset.done $0x0  }
.Ltmp1:
0x78: {  	s26 =	sadd.s32 $0x1480, s25;
	[sflag:s20] =	ssyncadd.s32 $0xFFFFC000;
	(pc) =	sbr.rel @p0 .LBB2_4-.Ltmp1, $4  }
0x79: {  	[spmem:s2] =	stream.indirect.scatter.add.f32 [tilespmem:s18], [sflag:$0x3], $0x80, s26, s16, $0xb8;
	[tilespmem:$0x1E800] =	vst v63  }
0x7a: {  	_ =	swait.ge [sflag:s14], $0x4000  }
0x7b: {  	[sflag:s14] =	ssyncset.done $0x0  }
0x7c: {  	s25 =	sadd.s32 $0x180, s25;
	[sflag:s14] =	ssyncadd.s32 $0xFFFFC000  }
0x7d: {  	[tilespmem:s18], [sflag:$0x2] =	stream.indirect.gather [hbm4b:s4+s16], $0x80, s25, s16, $0xb8;
	[tilespmem:$0x1E800] =	vst v63  }
0x7e: {  	_ =	swait.ge [sflag:s19], $0x4000  }
0x7f: {  	[sflag:s19] =	ssyncset.done $0x0  }
0x80: {  	[sflag:s19] =	ssyncadd.s32 $0xFFFFC000  }
0x81: {  	[spmem:s2] =	stream.indirect.scatter.add.f32 [tilespmem:s17], [sflag:$0x3], $0x80, s21, s16, $0xb8;
	[tilespmem:$0x1E800] =	vst v63  }
0x82: {  	_ =	swait.ge [sflag:s14], $0x4000  }
0x83: {  	[sflag:s14] =	ssyncset.done $0x0  }
0x84: {  	[sflag:s14] =	ssyncadd.s32 $0xFFFFC000  }
0x85: {  	_ =	swait.ge [sflag:s20], $0x4000  }
0x86: {  	[sflag:s20] =	ssyncset.done $0x0  }
0x87: {  	[sflag:s20] =	ssyncadd.s32 $0xFFFFC000  }
0x88: {  	[spmem:s2] =	stream.indirect.scatter.add.f32 [tilespmem:s18], [sflag:$0x3], $0x80, s22, s16, $0xb8;
	[tilespmem:$0x1E800] =	vst v63  }
0x89: {  	_ =	swait.ge [sflag:s14], $0x4000  }
0x8a: {  	s23 =	sadd.s32 $0x1, s23;
	[sflag:s14] =	ssyncset.done $0x0  }
0x8b: {  	p0 =	sne.s32 s23, s12;
	[sflag:s14] =	ssyncadd.s32 $0xFFFFC000  }
.Ltmp2:
0x8c: {  	[bflag:$0x0] =	sbarrier.arrive $0xFFFF;
	(pc) =	sbr.rel @p0 .LBB2_1-.Ltmp2, $4  }
0x8d: {  	[hbm:s11], [sflag:s6] =	dma.local [spmem:s13], $0x2800  }
0x8e: {  	_ =	swait.ge [sflag:s14], $0x2800  }
0x8f: {  	[sflag:s14] =	ssyncset.done $0x0  }
0x90: {  	[sflag:s14] =	ssyncadd.s32 $0xFFFFD800  }
0x91: {  	_ =	sfence.sel $0x180000  }
0x92: {  	[bflag:$0x0] =	sbarrier.arrive $0xFFFF  }
0x93: {  	p0 =	sne.s32 s1, $0x0;
	_ =	strace $0x9000004D  }
0x94: {  	s0 =	sadd.s32 @!p0 $0x100000, s0;
	[bflag:$0x2] =	sbarrier.arrive $0xFFFF  }
0x95: {  	[sflag:s0] =	ssyncadd.tile.s32 @!p0 $0x1;
	_ =	shalt  }
.Lfunc_end2:
_tile_overlayer_lowered:
.L_overlay_start_2:
0x96: {  	(tag) =	ssettag $0x2  }
0x97: {  	s0 =	rddreg [dreg:$0x0];
	s2 =	stileid.u32  }
0x98: {  	s1 =	rddreg [dreg:$0x1];
	p0 =	sne.s32 s2, $0x0  }
0x99: {  	s3 =	rddreg [dreg:$0x2];
	[bflag:$0x3] =	sbarrier.arrive $0xFFFF;
	s2 =	simm.s32 @!p0 $0x1C03  }
0x9a: {  	[timem:s3], [sflag:s2] =	dma.local @!p0 [hbm:s0], s1  }
0x9b: {  	s0 =	simm.s32 @!p0 $0x3  }
0x9c: {  	_ =	swait.ge @!p0 [sflag:s0], s1  }
0x9d: {  	s1 =	ssub.s32 @!p0 $0x0, s1;
	[sflag:s0] =	ssyncset.done @!p0 $0x0  }
0x9e: {  	[sflag:s0] =	ssyncadd.s32 @!p0 s1  }
0x9f: {  	[bflag:$0x3] =	sbarrier.arrive $0xFFFF  }
0xa0: {  	_ =	shalt  }

// kernel: kernel.9.cloned.1.call-start
scs
__scs_entry_jumppad:
0x0: {  	(pc) =	sbr.rel $0x88, $3  }
0x1: {  	(tag) =	ssettag $0x0;
	lr =	simm.s32 $0x1  }
0x2: {  	[smem:$0x3F9B] =	sst lr;
	_ =	strace $0xD0000000  }
0x3: {  	_ = 	snop  }
0x4: {  	_ = 	snop  }
0x5: {  	_ = 	snop  }
0x6: {  	_ = 	snop  }
0x7: {  	_ = 	snop  }
__scs_overlays_trampoline_lowered:
0x8: {  	[smem:$0x3FAA] =	sst s0  }
0x9: {  	[smem:$0x3FAB] =	sst s1  }
0xa: {  	[smem:$0x3FAC] =	sst s2  }
0xb: {  	[smem:$0x3FAD] =	sst s3  }
0xc: {  	[smem:$0x3FAE] =	sst s4  }
0xd: {  	[smem:$0x3FAF] =	sst s5  }
0xe: {  	[smem:$0x3FB0] =	sst s6  }
0xf: {  	[smem:$0x3FB1] =	sst s7  }
0x10: {  	[smem:$0x3FB2] =	sst s8  }
0x11: {  	[smem:$0x3FB3] =	sst s9;
	s0 =	simm.s32 @!p0 $0x0  }
0x12: {  	s1 =	sld [smem:$0x3F99];
	s0 =	simm.s32 @p0 $0x1  }
0x13: {  	[smem:$0x3FB4] =	sst s0;
	s0 =	simm.s32 @!p1 $0x0  }
0x14: {  	s2 =	sld [smem:$0x3F98];
	s0 =	simm.s32 @p1 $0x1  }
0x15: {  	[smem:$0x3FB5] =	sst s0;
	s0 =	simm.s32 @!p2 $0x0  }
0x16: {  	s3 =	sld [smem:$0x3FDB];
	s0 =	simm.s32 @p2 $0x1  }
0x17: {  	s4 =	simm.s32 $0x1BF5;
	[smem:$0x3FB7] =	sst s0  }
0x18: {  	s0 =	sld [smem:$0x3F9A];
	_ =	swait.ge [sflag:s4], $0x0  }
0x19: {  	s7 =	sld [smem:$0x3F9B]  }
0x1a: {  	s8 =	sadd.s32 $0xFFFFE003, lr  }
0x1b: {  	s9 =	sadd.s32 $0xFFFFFEF7, lr;
	s5 =	simm.s32 $0xFFFFFFFF;
	p2 =	slt.u32 s8, $0xFFFFF086  }
0x1c: {  	p1 =	slt.u32 s9, $0xF7A;
	s5 =	simm.s32 @!p2 $0x0  }
0x1d: {  	s5 =	simm.s32 @p1 $0x1;
	p0 =	seq.s32 s7, s2  }
0x1e: {  	s7 =	smul.u32 @!p0 $0xF7A, s2;
	p2 =	seq.s32 @!p0 s5, $0x0  }
0x1f: {  	s9 =	smul.u32 $0xF7A, s1;
	s8 =	simm.s32 @!p0 $0x1BF5;
	p2 =	por !p2, p0  }
0x20: {  	[sflag:s8] =	ssyncset.s32 @!p0 $0xFFFFF086;
	s6 =	sadd.s32 @!p0 s3, s7;
	s7 =	simm.s32 @!p0 $0x108  }
0x21: {  	s3 =	sadd.s32 s3, s9;
	s6 =	sadd.s32 @!p0 $0x88, s6;
	s7 =	simm.s32 @p2 $0x1082  }
0x22: {  	[simem:s7], [sflag:s8] =	dma.local @!p0 [hbm:s6], $0xF7A  }
0x23: {  	s9 =	sor.u32 $0xD0000000, s2;
	s6 =	simm.s32 $0x108;
	_ =	swait.ge @!p0 [sflag:s8], $0x0  }
0x24: {  	s3 =	sadd.s32 $0x88, s3;
	s6 =	simm.s32 @!p1 $0x1082;
	[sflag:s4] =	ssyncset.s32 $0xFFFFF086  }
0x25: {  	[simem:s6], [sflag:s4] =	dma.local [hbm:s3], $0xF7A  }
0x26: {  	[smem:$0x3F9B] =	sst s1;
	(tag) =	ssettag s2;
	_ =	strace s9  }
0x27: {  	s1 =	sld [smem:$0x3FAB]  }
0x28: {  	s2 =	sld [smem:$0x3FAC]  }
0x29: {  	s4 =	sld [smem:$0x3FAE]  }
0x2a: {  	p0 =	seq.s32 s5, $0x0;
	s5 =	sld [smem:$0x3FAF]  }
0x2b: {  	s6 =	sld [smem:$0x3FB0]  }
0x2c: {  	s7 =	sld [smem:$0x3FB1]  }
0x2d: {  	s3 =	simm.s32 $0x108;
	s8 =	sld [smem:$0x3FB2]  }
0x2e: {  	s3 =	simm.s32 @!p0 $0x1082;
	s9 =	sld [smem:$0x3FB3]  }
0x2f: {  	lr =	sadd.s32 s0, s3;
	s0 =	sld [smem:$0x3FAA]  }
0x30: {  	s3 =	sld [smem:$0x3FAD]  }
0x31: {  	[smem:$0x3FB6] =	sst s10  }
0x32: {  	s10 =	sld [smem:$0x3FB4];
	_ =	sdelay $0x3  }
0x33: {  	p0 =	seq.s32 s10, $0x1;
	s10 =	sld [smem:$0x3FB6];
	_ =	sdelay $0x3  }
0x34: {  	[smem:$0x3FB6] =	sst s10  }
0x35: {  	s10 =	sld [smem:$0x3FB5];
	_ =	sdelay $0x3  }
0x36: {  	p1 =	seq.s32 s10, $0x1;
	s10 =	sld [smem:$0x3FB6];
	_ =	sdelay $0x3  }
0x37: {  	[smem:$0x3FB6] =	sst s10  }
0x38: {  	s10 =	sld [smem:$0x3FB7]  }
0x39: {  	_ = 	snop;
	(pc) =	sbr.ind lr, $3  }
0x3a: {  	_ = 	snop  }
0x3b: {  	_ = 	snop  }
0x3c: {  	p2 =	seq.s32 s10, $0x1;
	s10 =	sld [smem:$0x3FB6]  }
0x3d: {  	_ =	shalt  }
0x3e: {  	_ =	shalt  }
0x3f: {  	_ =	shalt  }
0x40: {  	_ =	shalt  }
0x41: {  	_ =	shalt  }
0x42: {  	_ =	shalt  }
0x43: {  	_ =	shalt  }
0x44: {  	_ =	shalt  }
0x45: {  	_ =	shalt  }
0x46: {  	_ =	shalt  }
0x47: {  	_ =	shalt  }
0x48: {  	_ =	shalt  }
0x49: {  	_ =	shalt  }
0x4a: {  	_ =	shalt  }
0x4b: {  	_ =	shalt  }
0x4c: {  	_ =	shalt  }
0x4d: {  	_ =	shalt  }
0x4e: {  	_ =	shalt  }
0x4f: {  	_ =	shalt  }
0x50: {  	_ =	shalt  }
0x51: {  	_ =	shalt  }
0x52: {  	_ =	shalt  }
0x53: {  	_ =	shalt  }
0x54: {  	_ =	shalt  }
0x55: {  	_ =	shalt  }
0x56: {  	_ =	shalt  }
0x57: {  	_ =	shalt  }
0x58: {  	_ =	shalt  }
0x59: {  	_ =	shalt  }
0x5a: {  	_ =	shalt  }
0x5b: {  	_ =	shalt  }
0x5c: {  	_ =	shalt  }
0x5d: {  	_ =	shalt  }
0x5e: {  	_ =	shalt  }
0x5f: {  	_ =	shalt  }
0x60: {  	_ =	shalt  }
0x61: {  	_ =	shalt  }
0x62: {  	_ =	shalt  }
0x63: {  	_ =	shalt  }
0x64: {  	_ =	shalt  }
0x65: {  	_ =	shalt  }
0x66: {  	_ =	shalt  }
0x67: {  	_ =	shalt  }
0x68: {  	_ =	shalt  }
0x69: {  	_ =	shalt  }
0x6a: {  	_ =	shalt  }
0x6b: {  	_ =	shalt  }
0x6c: {  	_ =	shalt  }
0x6d: {  	_ =	shalt  }
0x6e: {  	_ =	shalt  }
0x6f: {  	_ =	shalt  }
0x70: {  	_ =	shalt  }
0x71: {  	_ =	shalt  }
0x72: {  	_ =	shalt  }
0x73: {  	_ =	shalt  }
0x74: {  	_ =	shalt  }
0x75: {  	_ =	shalt  }
0x76: {  	_ =	shalt  }
0x77: {  	_ =	shalt  }
0x78: {  	_ =	shalt  }
0x79: {  	_ =	shalt  }
0x7a: {  	_ =	shalt  }
0x7b: {  	_ =	shalt  }
0x7c: {  	_ =	shalt  }
0x7d: {  	_ =	shalt  }
0x7e: {  	_ =	shalt  }
0x7f: {  	_ =	shalt  }
0x80: {  	_ =	shalt  }
0x81: {  	_ =	shalt  }
0x82: {  	_ =	shalt  }
0x83: {  	_ =	shalt  }
0x84: {  	_ =	shalt  }
0x85: {  	_ =	shalt  }
0x86: {  	_ =	shalt  }
0x87: {  	_ =	shalt  }
.Lfunc_end0:
.L_simem_size_0:
called_computation_lowered:
.L_overlay_start_0:
0x88: {  	s2 =	sld [smem:$0x3FD9]  }
0x89: {  	s3 =	sld [smem:$0x3FFE];
	_ =	sdelay $0x1  }
0x8a: {  	s1 =	srdreg.scid  }
0x8b: {  	s0 =	sand.u32 $0x1, s1  }
0x8c: {  	s16 =	sshll.u32 s0, $0xA;
	s2 =	sadd.s32 s3, s2  }
0x8d: {  	s2 =	sadd.s32 s2, s16  }
0x8e: {  	[smem:$0x3FC2] =	sst s2  }
0x8f: {  	_ = 	snop  }
0x90: {  	(tm) =	ssettm $0x1  }
0x91: {  	s17 =	sld [smem:$0x3FFB];
	_ =	sdelay $0x3  }
0x92: {  	_ =	strace s17  }
0x93: {  	s2 =	sld [smem:$0x3FFC];
	_ =	sdelay $0x3  }
0x94: {  	_ =	strace s2  }
0x95: {  	s2 =	sld [smem:$0x3FFD];
	_ =	sdelay $0x3  }
0x96: {  	_ =	strace s2  }
0x97: {  	_ =	strace $0x8FFFFFFF  }
0x98: {  	s18 =	sld [smem:$0x3FDB];
	_ =	sdelay $0x1  }
0x99: {  	s19 =	simm.s32 $_scs_section_size  }
0x9a: {  	s4 =	simm.s32 $_size__tile_overlayer_lowered;
	s5 =	simm.s32 $_tile_overlayer_lowered  }
0x9b: {  	s22 =	simm.s32 $0x1BFF;
	s21 =	sshll.u32 s5, $0x1;
	s2 =	sadd.s32 s19, s18  }
0x9c: {  	s6 =	simm.s32 $0x0;
	s20 =	sshll.u32 s4, $0x1;
	s4 =	sadd.s32 s21, s2  }
0x9d: {  	[timem:s6], [sflag:s22] =	dma.local [hbm:s4], s20  }
0x9e: {  	_ =	swait.ge [sflag:s22], s20  }
0x9f: {  	s3 =	ssub.s32 $0x0, s20;
	[sflag:s22] =	ssyncset.done $0x0  }
0xa0: {  	[sflag:s22] =	ssyncadd.s32 s3;
	_ =	sdelay $0x1  }
0xa1: {  	s23 =	simm.s32 $0x1B8B  }
0xa2: {  	_ =	swait.ge [sflag:s23], $0x1  }
0xa3: {  	[sflag:s23] =	ssyncset.done $0x0  }
0xa4: {  	s25 =	simm.s32 $0x1B8E;
	s24 =	sld [smem:$0x3FFE];
	[sflag:s23] =	ssyncadd.s32 $0xFFFFFFFF  }
0xa5: {  	s26 =	simm.s32 $execute0_lowered;
	[smem:$0x3FD2] =	sst s25  }
0xa6: {  	s4 =	sshll.u32 s26, $0x1;
	_ =	strace $0x80000046;
	[dreg:$0x1] =	wrdreg $0xFFFFFFFF  }
0xa7: {  	s28 =	simm.s32 $_size_execute0_lowered;
	s2 =	sadd.s32 s2, s4;
	[dreg:$0x0] =	wrdreg $0x0  }
0xa8: {  	s4 =	sshll.u32 s28, $0x1;
	[dreg:$0x2] =	wrdreg s2  }
0xa9: {  	[dreg:$0x3] =	wrdreg s4  }
0xaa: {  	[dreg:$0x4] =	wrdreg $0xC0  }
0xab: {  	_ =	task [dreg:s6], $0x5FFFF  }
0xac: {  	[dreg:$0x1] =	wrdreg $0xFFFFFFFF  }
0xad: {  	[dreg:$0x0] =	wrdreg $0x60  }
0xae: {  	[dreg:$0x2] =	wrdreg s24  }
0xaf: {  	[dreg:$0x3] =	wrdreg $0x68000  }
0xb0: {  	[dreg:$0x4] =	wrdreg $0x9  }
0xb1: {  	_ =	task.clear_ibuf [dreg:s6], $0x5FFFF;
	_ =	strace $0x90000046  }
0xb2: {  	s29 =	simm.s32 $0x9;
	_ =	strace $0x80000048  }
0xb3: {  	_ =	swait.ge [sflag:s29], $0x1  }
0xb4: {  	[sflag:s29] =	ssyncadd.s32 $0xFFFFFFFF  }
0xb5: {  	_ =	strace $0x90000048  }
0xb6: {  	_ =	sfence  }
0xb7: {  	s30 =	sld [smem:$0x0];
	_ =	sdelay $0x2  }
0xb8: {  	s31 =	sshll.u32 s1, $0xD;
	s1 =	sshrl.u32 s1, $0x2  }
0xb9: {  	s3 =	sand.u32 $0x4000, s31;
	s1 =	sadd.s32 s1, s30  }
0xba: {  	s0 =	sor.u32 s3, s0;
	s1 =	sshll.u32 s1, $0x11  }
0xbb: {  	s0 =	sor.u32 s1, s0  }
0xbc: {  	s0 =	sadd.s32 $0x8F2B, s0  }
0xbd: {  	[sflag:s0] =	ssyncadd.remote.s32 $0x1  }
0xbe: {  	_ =	sfence.sel $0xFFFF  }
0xbf: {  	[dreg:$0x0] =	wrdreg $0xFFFFFFFF;
	(pc) =	sbr.abs _section_cstart, $3  }
0xc0: {  	[dreg:$0x1] =	wrdreg $0xFFFFFFFF  }
0xc1: {  	_ =	task.clear_ibuf [dreg:s6], $0x2FFFF;
	_ =	strace $0x9FFFFFFF  }
0xc2: {  	(tm) =	ssettm $0x7FFFFFFF  }
0xc3: {  	_ =	shalt  }
tec
execute0_lowered:
.L_overlay_start_1:
0x0: {  	(tag) =	ssettag $0x1  }
0x1: {  	s1 =	srdreg.scid;
	s6 =	rddreg [dreg:$0x0]  }
0x2: {  	s0 =	stileid.u32;
	s2 =	rddreg [dreg:$0x1];
	s3 =	simm.s32 $0x0  }
0x3: {  	s13 =	simm.s32 $0x80;
	s14 =	simm.s32 $0x0;
	s7 =	sand.u32 $0x1, s1  }
0x4: {  	s26 =	sshll.u32 s0, $0x1;
	s1 =	rddreg [dreg:$0x2];
	s8 =	smul.u32 $0x2800, s0  }
0x5: {  	[smem:$0x7FF] =	sst s3;
	s11 =	smul.u32 $0x50000, s0;
	s5 =	sadd.s32 $0xC800, s6  }
0x6: {  	s31 =	sshll.u32 s0, $0x6;
	s4 =	sor.u32 s7, s26;
	s9 =	smul.u32 $0x28000, s7  }
0x7: {  	_ =	strace $0x80000047;
	s7 =	ssub.s32 $0x2, s7;
	s4 =	smul.u32 $0x500, s4  }
0x8: {  	s28 =	sshrl.u32 s7, $0x1;
	s29 =	sshrl.u32 s11, $0x2;
	s11 =	simm.s32 $0x1  }
0x9: {  	s8 =	sadd.s32 s8, s9;
	s30 =	ssub.s32 s7, s28;
	s12 =	sadd.s32 s29, s2  }
0xa: {  	s10 =	sadd.s32 s4, s6;
	s4 =	sadd.s32 $0xC000, s6;
	s8 =	sadd.s32 s8, s6  }
0xb: {  	s6 =	sor.u32 $0x1C01, s31;
	s9 =	smax.u32 s30, $0x1;
	s7 =	sadd.s32 $0x2000, s10  }
0xc: {  	s8 =	sadd.s32 $0xF000, s8;
	s10 =	sshrl.u32 s12, $0x3;
	s12 =	simm.s32 $0x2800  }
.LBB2_1:
0xd: {  	[spmem:s10], [sflag:s6] =	dma.local [hbm:s5], $0x2800  }
0xe: {  	_ =	swait.ge [sflag:s11], $0x2800  }
0xf: {  	[sflag:s11] =	ssyncset.done $0x0  }
0x10: {  	[sflag:s11] =	ssyncadd.s32 $0xFFFFD800  }
0x11: {  	[tilespmem:s12], [sflag:$0x1] =	stream.linear.gather [hbm4b:s4+s3], $0x4000, $0x38;
	[tilespmem:$0x1A800] =	vst v63  }
0x12: {  	_ =	swait.ge [sflag:s11], $0x4000  }
0x13: {  	[sflag:s11] =	ssyncset.done $0x0  }
0x14: {  	[sflag:s11] =	ssyncadd.s32 $0xFFFFC000  }
0x15: {  	[tilespmem:s3], [sflag:$0x1] =	stream.linear.gather [hbm4b:s7+s3], $0x2800, $0x38;
	[tilespmem:$0x1A800] =	vst v63  }
0x16: {  	_ =	swait.ge [sflag:s11], $0x2800  }
0x17: {  	[sflag:s11] =	ssyncset.done $0x0  }
0x18: {  	[sflag:s11] =	ssyncadd.s32 $0xFFFFD800  }
0x19: {  	s15 =	simm.s32 $0x0;
	[bflag:$0x0] =	sbarrier.arrive $0xFFFF  }
0x1a: {  	[spmem:s2] =	stream.indirect.scatter.add.f32 [tilespmem:s12], [sflag:$0x1], $0x80, s15, s13, $0xb8;
	[tilespmem:$0x1A800] =	vst v63  }
0x1b: {  	_ =	swait.ge [sflag:s11], $0x4000  }
0x1c: {  	s15 =	simm.s32 $0x200;
	[sflag:s11] =	ssyncset.done $0x0  }
.LBB2_2:
0x1d: {  	s16 =	sshra.s32 s15, $0x2;
	[sflag:s11] =	ssyncadd.s32 $0xFFFFC000;
	p0 =	sne.s32 s15, $0x9E00  }
0x1e: {  	[spmem:s2] =	stream.indirect.scatter.add.f32 [tilespmem:s12], [sflag:$0x1], $0x80, s16, s13, $0xb8;
	[tilespmem:$0x1A800] =	vst v63  }
.Ltmp0:
0x1f: {  	_ = 	snop;
	(pc) =	sbr.rel @p0 .LBB2_2-.Ltmp0, $4  }
0x20: {  	_ = 	snop  }
0x21: {  	s15 =	sadd.s32 $0x200, s15  }
0x22: {  	_ =	swait.ge [sflag:s11], $0x4000  }
0x23: {  	[sflag:s11] =	ssyncset.done $0x0  }
0x24: {  	s14 =	sadd.s32 $0x1, s14  }
0x25: {  	[sflag:s11] =	ssyncadd.s32 $0xFFFFC000;
	p0 =	sne.s32 s14, s9  }
.Ltmp1:
0x26: {  	[bflag:$0x0] =	sbarrier.arrive $0xFFFF;
	(pc) =	sbr.rel @p0 .LBB2_1-.Ltmp1, $4  }
0x27: {  	[hbm:s8], [sflag:s6] =	dma.local [spmem:s10], $0x2800  }
0x28: {  	_ =	swait.ge [sflag:s11], $0x2800  }
0x29: {  	[sflag:s11] =	ssyncset.done $0x0  }
0x2a: {  	[sflag:s11] =	ssyncadd.s32 $0xFFFFD800  }
0x2b: {  	_ =	sfence.sel $0x180000  }
0x2c: {  	[bflag:$0x0] =	sbarrier.arrive $0xFFFF  }
0x2d: {  	p0 =	sne.s32 s0, $0x0;
	_ =	strace $0x90000047  }
0x2e: {  	s0 =	sadd.s32 @!p0 $0x100000, s1;
	[bflag:$0x2] =	sbarrier.arrive $0xFFFF  }
0x2f: {  	[sflag:s0] =	ssyncadd.tile.s32 @!p0 $0x1;
	_ =	shalt  }
.Lfunc_end2:
_tile_overlayer_lowered:
.L_overlay_start_2:
0x30: {  	(tag) =	ssettag $0x2  }
0x31: {  	s0 =	rddreg [dreg:$0x0];
	s2 =	stileid.u32  }
0x32: {  	s1 =	rddreg [dreg:$0x1];
	p0 =	sne.s32 s2, $0x0  }
0x33: {  	s3 =	rddreg [dreg:$0x2];
	[bflag:$0x3] =	sbarrier.arrive $0xFFFF;
	s2 =	simm.s32 @!p0 $0x1C01  }
0x34: {  	[timem:s3], [sflag:s2] =	dma.local @!p0 [hbm:s0], s1  }
0x35: {  	s0 =	simm.s32 @!p0 $0x1  }
0x36: {  	_ =	swait.ge @!p0 [sflag:s0], s1  }
0x37: {  	s1 =	ssub.s32 @!p0 $0x0, s1;
	[sflag:s0] =	ssyncset.done @!p0 $0x0  }
0x38: {  	[sflag:s0] =	ssyncadd.s32 @!p0 s1  }
0x39: {  	[bflag:$0x3] =	sbarrier.arrive $0xFFFF  }
0x3a: {  	_ =	shalt  }

</sc_bundles>
